<compile_context>
chip_gen: v7x
topology: tpu7x:2x2x1
jax: 0.10.2.dev20260603
libtpu: 0.0.44.dev20260713+nightly
codegen_flags: <defaults>
</compile_context>

<pallas_src>
import functools

import jax
import jax.numpy as jnp
from jax import lax
from jax.experimental import pallas as pl
from jax.experimental.pallas import tpu as pltpu
from jax.experimental.pallas import tpu_sc as plsc

N_NODES = 10000
N_EDGES = 320000
D = 128

NC = 2
NS = 16
CH = 80
EDGES_PER_TILE = N_EDGES // (NC * NS)
NCH = EDGES_PER_TILE // CH
ROWS_PER_TILE = 624
REM_ROWS = N_NODES - NS * ROWS_PER_TILE


def _sc_body(x_hbm, dst_hbm, src_hbm, zeros_hbm, out_hbm,
             idx_d, idx_s, rows0, rows1, acc,
             semz, sem0a, sem0b, sem0c, sem0d, sem1a, sem1b, sem1c, sem1d):
    c = lax.axis_index("c")
    s = lax.axis_index("s")
    tid = c * NS + s

    zdst = acc.at[pl.ds(s * ROWS_PER_TILE, ROWS_PER_TILE)]
    pltpu.async_copy(zeros_hbm.at[pl.ds(0, ROWS_PER_TILE)], zdst, semz)

    pltpu.sync_copy(dst_hbm.at[tid], idx_d)
    pltpu.sync_copy(src_hbm.at[tid], idx_s)

    SPLITS = ((0, 24), (24, 24), (48, 16), (64, 16))

    def _start_gather(j, rows, sems):
        for q, (off, ln) in enumerate(SPLITS):
            pltpu.async_copy(x_hbm.at[idx_s.at[pl.ds(j * CH + off, ln)]],
                             rows.at[pl.ds(off, ln)], sems[q])

    def _wait_gather(rows, sems):
        for q, (off, ln) in enumerate(SPLITS):
            pltpu.make_async_copy(x_hbm.at[idx_s.at[pl.ds(0, ln)]],
                                  rows.at[pl.ds(off, ln)], sems[q]).wait()

    s0 = (sem0a, sem0b, sem0c, sem0d)
    s1 = (sem1a, sem1b, sem1c, sem1d)

    _start_gather(0, rows0, s0)

    pltpu.make_async_copy(zeros_hbm.at[pl.ds(0, ROWS_PER_TILE)], zdst,
                          semz).wait()

    @pl.when(s == 0)
    def _():
        pltpu.sync_copy(zeros_hbm.at[pl.ds(0, REM_ROWS)],
                        acc.at[pl.ds(NS * ROWS_PER_TILE, REM_ROWS)])

    plsc.subcore_barrier()

    @pl.loop(0, (NCH - 1) // 2)
    def _(i):
        j = 2 * i
        _wait_gather(rows0, s0)
        _start_gather(j + 1, rows1, s1)
        pltpu.sync_copy(rows0, acc.at[idx_d.at[j]], add=True)
        _wait_gather(rows1, s1)
        _start_gather(j + 2, rows0, s0)
        pltpu.sync_copy(rows1, acc.at[idx_d.at[j + 1]], add=True)

    _wait_gather(rows0, s0)
    pltpu.sync_copy(rows0, acc.at[idx_d.at[NCH - 1]], add=True)

    plsc.subcore_barrier()
    sl = pl.ds(s * ROWS_PER_TILE, ROWS_PER_TILE)
    pltpu.sync_copy(acc.at[sl], out_hbm.at[c, sl])

    @pl.when(s == 0)
    def _():
        sl2 = pl.ds(NS * ROWS_PER_TILE, REM_ROWS)
        pltpu.sync_copy(acc.at[sl2], out_hbm.at[c, sl2])


_sc_scatter = functools.partial(
    pl.kernel,
    out_type=jax.ShapeDtypeStruct((NC, N_NODES, D), jnp.float32),
    mesh=plsc.VectorSubcoreMesh(core_axis_name="c", subcore_axis_name="s"),
    scratch_types=[
        pltpu.VMEM((NCH, CH), jnp.int32),
        pltpu.VMEM((EDGES_PER_TILE,), jnp.int32),
        pltpu.VMEM((CH, D), jnp.float32),
        pltpu.VMEM((CH, D), jnp.float32),
        pltpu.VMEM_SHARED((N_NODES, D), jnp.float32),
    ] + [pltpu.SemaphoreType.DMA] * 9,
)(_sc_body)


def _add_body(p_ref, q_ref, o_ref):
    o_ref[...] = p_ref[0] + q_ref[0]


def _tc_add(partials):
    blk = 2000
    return pl.pallas_call(
        _add_body,
        grid=(N_NODES // blk,),
        in_specs=[
            pl.BlockSpec((1, blk, D), lambda i: (0, i, 0)),
            pl.BlockSpec((1, blk, D), lambda i: (1, i, 0)),
        ],
        out_specs=pl.BlockSpec((blk, D), lambda i: (i, 0)),
        out_shape=jax.ShapeDtypeStruct((N_NODES, D), jnp.float32),
    )(partials, partials)


@jax.jit
def kernel(x, edge_index):
    dst = edge_index[0].reshape(NC * NS, NCH, CH)
    src = edge_index[1].reshape(NC * NS, EDGES_PER_TILE)
    zeros = jnp.zeros((ROWS_PER_TILE, D), jnp.float32)
    partials = _sc_scatter(x, dst, src, zeros)
    return _tc_add(partials)

# --- scband reference (transcript-rebuilt; emitter-appended) ---
"""Pipeline reference for scband-message-passing-41240275976751 (READ-ONLY COPY).

The authoritative reference and input builder live on the scoring server;
editing this copy changes nothing except your own understanding.
"""

import jax, jax.numpy as jnp
import numpy as np

N_NODES = 10000
N_EDGES = 320000
D_FEAT = 128

def setup_inputs(seed: int = 0) -> dict:
    key = jax.random.key(seed)
    k1, k2 = jax.random.split(key)
    x = jax.random.normal(k1, (N_NODES, D_FEAT), dtype=jnp.float32)
    edge_index = jax.random.randint(k2, (2, N_EDGES), 0, N_NODES, dtype=jnp.int32)
    return {"x": x, "edge_index": edge_index}

def reference(x, edge_index):
    # MessagePassing.propagate(aggr='add', edge_index, x=x)
    # message(x_j) = gather x at source nodes edge_index[1]
    msgs = jnp.take(x, edge_index[1], axis=0)
    # aggregate('add', msgs, edge_index[0], size=N) = unsorted_segment_sum
    out = jax.ops.segment_sum(msgs, edge_index[0], num_segments=x.shape[0])
    # update is identity
    return out

if __name__ == "__main__":
    import jax
    _d = setup_inputs()
    print(jax.jit(kernel)(*tuple(_d.values())))

</pallas_src>

<mosaic_0001>
#map = affine_map<(d0, d1) -> (0, 0)>
#map1 = affine_map<(d0, d1) -> (0, 0, 0)>
module attributes {stable_mosaic.version = 14 : i64} {
  func.func @_sc_body(%arg0: i32, %arg1: i32, %arg2: memref<10000x128xf32, #tpu.memory_space<hbm>>, %arg3: memref<32x125x80xi32, #tpu.memory_space<hbm>>, %arg4: memref<32x10000xi32, #tpu.memory_space<hbm>>, %arg5: memref<624x128xf32, #tpu.memory_space<hbm>>, %arg6: memref<2x10000x128xf32, #tpu.memory_space<hbm>>, %arg7: memref<125x80xi32, #tpu.memory_space<vmem>>, %arg8: memref<10000xi32, #tpu.memory_space<vmem>>, %arg9: memref<80x128xf32, #tpu.memory_space<vmem>>, %arg10: memref<80x128xf32, #tpu.memory_space<vmem>>, %arg11: memref<10000x128xf32, #tpu.memory_space<vmem_shared>>, %arg12: memref<!tpu.dma_semaphore, #tpu.memory_space<semaphore_mem>>, %arg13: memref<!tpu.dma_semaphore, #tpu.memory_space<semaphore_mem>>, %arg14: memref<!tpu.dma_semaphore, #tpu.memory_space<semaphore_mem>>, %arg15: memref<!tpu.dma_semaphore, #tpu.memory_space<semaphore_mem>>, %arg16: memref<!tpu.dma_semaphore, #tpu.memory_space<semaphore_mem>>, %arg17: memref<!tpu.dma_semaphore, #tpu.memory_space<semaphore_mem>>, %arg18: memref<!tpu.dma_semaphore, #tpu.memory_space<semaphore_mem>>, %arg19: memref<!tpu.dma_semaphore, #tpu.memory_space<semaphore_mem>>, %arg20: memref<!tpu.dma_semaphore, #tpu.memory_space<semaphore_mem>>) attributes {dimension_semantics = [#tpu.dimension_semantics<core_parallel>, #tpu.dimension_semantics<subcore_parallel>], iteration_bounds = array<i64: 2, 16>, scalar_prefetch = 0 : i64, scratch_operands = 14 : i64, tpu.core_type = #tpu.core_type<sc_vector_subcore>, window_params = [{transform_indices = #map}, {transform_indices = #map1}, {transform_indices = #map}, {transform_indices = #map}, {transform_indices = #map1}]} {
    %mul3A = arith.constant 16 : i32
    %mul3A_0 = arith.muli %arg0, %mul3A : i32
    %add3A = arith.addi %mul3A_0, %arg1 : i32
    %mul3A_1 = arith.constant 624 : i32
    %mul3A_2 = arith.muli %arg1, %mul3A_1 : i32
    %dma_start3A = arith.constant 0 : i32
    %dma_start3A_3 = tpu.memref_slice %arg11[%mul3A_2, %dma_start3A] : memref<10000x128xf32, #tpu.memory_space<vmem_shared>> -> memref<624x128xf32, #tpu.memory_space<vmem_shared>>
    %dma_start3A_4 = arith.constant 0 : i32
    %dma_start3A_5 = arith.constant 0 : i32
    %dma_start3A_6 = tpu.memref_slice %arg5[%dma_start3A_4, %dma_start3A_5] : memref<624x128xf32, #tpu.memory_space<hbm>> -> memref<624x128xf32, #tpu.memory_space<hbm>>
    tpu.enqueue_dma source(%dma_start3A_6 : memref<624x128xf32, #tpu.memory_space<hbm>>) target(%dma_start3A_3 : memref<624x128xf32, #tpu.memory_space<vmem_shared>>) target_semaphore(%arg12 : memref<!tpu.dma_semaphore, #tpu.memory_space<semaphore_mem>>)
    "tpu.region"() ({
      %run_scoped3A_89 = tpu.sem_alloc : memref<!tpu.dma_semaphore, #tpu.memory_space<semaphore_mem>>
      %dma_start3A_90 = arith.constant 0 : i32
      %dma_start3A_91 = arith.constant 0 : i32
      %dma_start3A_92 = tpu.memref_slice %arg3[%add3A, %dma_start3A_90, %dma_start3A_91] : memref<32x125x80xi32, #tpu.memory_space<hbm>> -> memref<1x125x80xi32, #tpu.memory_space<hbm>>
      %dma_start3A_93 = tpu.memref_squeeze %dma_start3A_92 : memref<1x125x80xi32, #tpu.memory_space<hbm>> -> memref<125x80xi32, #tpu.memory_space<hbm>>
      %dma_start3A_94 = arith.constant 0 : i32
      %dma_start3A_95 = arith.constant 0 : i32
      %dma_start3A_96 = tpu.memref_slice %arg3[%add3A, %dma_start3A_94, %dma_start3A_95] : memref<32x125x80xi32, #tpu.memory_space<hbm>> -> memref<1x125x80xi32, #tpu.memory_space<hbm>>
      %dma_start3A_97 = tpu.memref_squeeze %dma_start3A_96 : memref<1x125x80xi32, #tpu.memory_space<hbm>> -> memref<125x80xi32, #tpu.memory_space<hbm>>
      tpu.enqueue_dma source(%dma_start3A_97 : memref<125x80xi32, #tpu.memory_space<hbm>>) target(%arg7 : memref<125x80xi32, #tpu.memory_space<vmem>>) target_semaphore(%run_scoped3A_89 : memref<!tpu.dma_semaphore, #tpu.memory_space<semaphore_mem>>)
      %dma_wait3A_98 = arith.constant 0 : i32
      %dma_wait3A_99 = arith.constant 0 : i32
      %dma_wait3A_100 = tpu.memref_slice %arg3[%add3A, %dma_wait3A_98, %dma_wait3A_99] : memref<32x125x80xi32, #tpu.memory_space<hbm>> -> memref<1x125x80xi32, #tpu.memory_space<hbm>>
      %dma_wait3A_101 = tpu.memref_squeeze %dma_wait3A_100 : memref<1x125x80xi32, #tpu.memory_space<hbm>> -> memref<125x80xi32, #tpu.memory_space<hbm>>
      %dma_wait3A_102 = arith.constant 0 : i32
      %dma_wait3A_103 = arith.constant 0 : i32
      %dma_wait3A_104 = tpu.memref_slice %arg3[%add3A, %dma_wait3A_102, %dma_wait3A_103] : memref<32x125x80xi32, #tpu.memory_space<hbm>> -> memref<1x125x80xi32, #tpu.memory_space<hbm>>
      %dma_wait3A_105 = tpu.memref_squeeze %dma_wait3A_104 : memref<1x125x80xi32, #tpu.memory_space<hbm>> -> memref<125x80xi32, #tpu.memory_space<hbm>>
      tpu.wait_dma2 semaphore(%run_scoped3A_89 : memref<!tpu.dma_semaphore, #tpu.memory_space<semaphore_mem>>) src(%dma_wait3A_105 : memref<125x80xi32, #tpu.memory_space<hbm>>) dst(%arg7 : memref<125x80xi32, #tpu.memory_space<vmem>>)
      tpu.yield
    }) : () -> ()
    "tpu.region"() ({
      %run_scoped3A_89 = tpu.sem_alloc : memref<!tpu.dma_semaphore, #tpu.memory_space<semaphore_mem>>
      %dma_start3A_90 = arith.constant 0 : i32
      %dma_start3A_91 = tpu.memref_slice %arg4[%add3A, %dma_start3A_90] : memref<32x10000xi32, #tpu.memory_space<hbm>> -> memref<1x10000xi32, #tpu.memory_space<hbm>>
      %dma_start3A_92 = tpu.memref_squeeze %dma_start3A_91 : memref<1x10000xi32, #tpu.memory_space<hbm>> -> memref<10000xi32, #tpu.memory_space<hbm>>
      %dma_start3A_93 = arith.constant 0 : i32
      %dma_start3A_94 = tpu.memref_slice %arg4[%add3A, %dma_start3A_93] : memref<32x10000xi32, #tpu.memory_space<hbm>> -> memref<1x10000xi32, #tpu.memory_space<hbm>>
      %dma_start3A_95 = tpu.memref_squeeze %dma_start3A_94 : memref<1x10000xi32, #tpu.memory_space<hbm>> -> memref<10000xi32, #tpu.memory_space<hbm>>
      tpu.enqueue_dma source(%dma_start3A_95 : memref<10000xi32, #tpu.memory_space<hbm>>) target(%arg8 : memref<10000xi32, #tpu.memory_space<vmem>>) target_semaphore(%run_scoped3A_89 : memref<!tpu.dma_semaphore, #tpu.memory_space<semaphore_mem>>)
      %dma_wait3A_96 = arith.constant 0 : i32
      %dma_wait3A_97 = tpu.memref_slice %arg4[%add3A, %dma_wait3A_96] : memref<32x10000xi32, #tpu.memory_space<hbm>> -> memref<1x10000xi32, #tpu.memory_space<hbm>>
      %dma_wait3A_98 = tpu.memref_squeeze %dma_wait3A_97 : memref<1x10000xi32, #tpu.memory_space<hbm>> -> memref<10000xi32, #tpu.memory_space<hbm>>
      %dma_wait3A_99 = arith.constant 0 : i32
      %dma_wait3A_100 = tpu.memref_slice %arg4[%add3A, %dma_wait3A_99] : memref<32x10000xi32, #tpu.memory_space<hbm>> -> memref<1x10000xi32, #tpu.memory_space<hbm>>
      %dma_wait3A_101 = tpu.memref_squeeze %dma_wait3A_100 : memref<1x10000xi32, #tpu.memory_space<hbm>> -> memref<10000xi32, #tpu.memory_space<hbm>>
      tpu.wait_dma2 semaphore(%run_scoped3A_89 : memref<!tpu.dma_semaphore, #tpu.memory_space<semaphore_mem>>) src(%dma_wait3A_101 : memref<10000xi32, #tpu.memory_space<hbm>>) dst(%arg8 : memref<10000xi32, #tpu.memory_space<vmem>>)
      tpu.yield
    }) : () -> ()
    %dma_start3A_7 = arith.constant 0 : i32
    %dma_start3A_8 = arith.constant 0 : i32
    %dma_start3A_9 = tpu.memref_slice %arg9[%dma_start3A_7, %dma_start3A_8] : memref<80x128xf32, #tpu.memory_space<vmem>> -> memref<24x128xf32, #tpu.memory_space<vmem>>
    %dma_start3A_10 = arith.constant 0 : i32
    %dma_start3A_11 = tpu.memref_slice %arg8[%dma_start3A_10] : memref<10000xi32, #tpu.memory_space<vmem>> -> memref<24xi32, #tpu.memory_space<vmem>>
    %dma_start3A_12 = arith.constant 0 : i32
    %dma_start3A_13 = arith.constant 0 : i32
    %dma_start3A_14 = tpu.memref_slice %arg2[%dma_start3A_12, %dma_start3A_13] : memref<10000x128xf32, #tpu.memory_space<hbm>> -> memref<10000x128xf32, #tpu.memory_space<hbm>>
    tpu.enqueue_indirect_dma source(%dma_start3A_14 : memref<10000x128xf32, #tpu.memory_space<hbm>>) target(%dma_start3A_9 : memref<24x128xf32, #tpu.memory_space<vmem>>) offsets(%dma_start3A_11 : memref<24xi32, #tpu.memory_space<vmem>>) semaphore(%arg13 : memref<!tpu.dma_semaphore, #tpu.memory_space<semaphore_mem>>)
    %dma_start3A_15 = arith.constant 24 : i32
    %dma_start3A_16 = arith.constant 0 : i32
    %dma_start3A_17 = tpu.memref_slice %arg9[%dma_start3A_15, %dma_start3A_16] : memref<80x128xf32, #tpu.memory_space<vmem>> -> memref<24x128xf32, #tpu.memory_space<vmem>>
    %dma_start3A_18 = arith.constant 24 : i32
    %dma_start3A_19 = tpu.memref_slice %arg8[%dma_start3A_18] : memref<10000xi32, #tpu.memory_space<vmem>> -> memref<24xi32, #tpu.memory_space<vmem>>
    %dma_start3A_20 = arith.constant 0 : i32
    %dma_start3A_21 = arith.constant 0 : i32
    %dma_start3A_22 = tpu.memref_slice %arg2[%dma_start3A_20, %dma_start3A_21] : memref<10000x128xf32, #tpu.memory_space<hbm>> -> memref<10000x128xf32, #tpu.memory_space<hbm>>
    tpu.enqueue_indirect_dma source(%dma_start3A_22 : memref<10000x128xf32, #tpu.memory_space<hbm>>) target(%dma_start3A_17 : memref<24x128xf32, #tpu.memory_space<vmem>>) offsets(%dma_start3A_19 : memref<24xi32, #tpu.memory_space<vmem>>) semaphore(%arg14 : memref<!tpu.dma_semaphore, #tpu.memory_space<semaphore_mem>>)
    %dma_start3A_23 = arith.constant 48 : i32
    %dma_start3A_24 = arith.constant 0 : i32
    %dma_start3A_25 = tpu.memref_slice %arg9[%dma_start3A_23, %dma_start3A_24] : memref<80x128xf32, #tpu.memory_space<vmem>> -> memref<16x128xf32, #tpu.memory_space<vmem>>
    %dma_start3A_26 = arith.constant 48 : i32
    %dma_start3A_27 = tpu.memref_slice %arg8[%dma_start3A_26] : memref<10000xi32, #tpu.memory_space<vmem>> -> memref<16xi32, #tpu.memory_space<vmem>>
    %dma_start3A_28 = arith.constant 0 : i32
    %dma_start3A_29 = arith.constant 0 : i32
    %dma_start3A_30 = tpu.memref_slice %arg2[%dma_start3A_28, %dma_start3A_29] : memref<10000x128xf32, #tpu.memory_space<hbm>> -> memref<10000x128xf32, #tpu.memory_space<hbm>>
    tpu.enqueue_indirect_dma source(%dma_start3A_30 : memref<10000x128xf32, #tpu.memory_space<hbm>>) target(%dma_start3A_25 : memref<16x128xf32, #tpu.memory_space<vmem>>) offsets(%dma_start3A_27 : memref<16xi32, #tpu.memory_space<vmem>>) semaphore(%arg15 : memref<!tpu.dma_semaphore, #tpu.memory_space<semaphore_mem>>)
    %dma_start3A_31 = arith.constant 64 : i32
    %dma_start3A_32 = arith.constant 0 : i32
    %dma_start3A_33 = tpu.memref_slice %arg9[%dma_start3A_31, %dma_start3A_32] : memref<80x128xf32, #tpu.memory_space<vmem>> -> memref<16x128xf32, #tpu.memory_space<vmem>>
    %dma_start3A_34 = arith.constant 64 : i32
    %dma_start3A_35 = tpu.memref_slice %arg8[%dma_start3A_34] : memref<10000xi32, #tpu.memory_space<vmem>> -> memref<16xi32, #tpu.memory_space<vmem>>
    %dma_start3A_36 = arith.constant 0 : i32
    %dma_start3A_37 = arith.constant 0 : i32
    %dma_start3A_38 = tpu.memref_slice %arg2[%dma_start3A_36, %dma_start3A_37] : memref<10000x128xf32, #tpu.memory_space<hbm>> -> memref<10000x128xf32, #tpu.memory_space<hbm>>
    tpu.enqueue_indirect_dma source(%dma_start3A_38 : memref<10000x128xf32, #tpu.memory_space<hbm>>) target(%dma_start3A_33 : memref<16x128xf32, #tpu.memory_space<vmem>>) offsets(%dma_start3A_35 : memref<16xi32, #tpu.memory_space<vmem>>) semaphore(%arg16 : memref<!tpu.dma_semaphore, #tpu.memory_space<semaphore_mem>>)
    %dma_wait3A = arith.constant 0 : i32
    %dma_wait3A_39 = tpu.memref_slice %arg11[%mul3A_2, %dma_wait3A] : memref<10000x128xf32, #tpu.memory_space<vmem_shared>> -> memref<624x128xf32, #tpu.memory_space<vmem_shared>>
    %dma_wait3A_40 = arith.constant 0 : i32
    %dma_wait3A_41 = arith.constant 0 : i32
    %dma_wait3A_42 = tpu.memref_slice %arg5[%dma_wait3A_40, %dma_wait3A_41] : memref<624x128xf32, #tpu.memory_space<hbm>> -> memref<624x128xf32, #tpu.memory_space<hbm>>
    tpu.wait_dma2 semaphore(%arg12 : memref<!tpu.dma_semaphore, #tpu.memory_space<semaphore_mem>>) src(%dma_wait3A_42 : memref<624x128xf32, #tpu.memory_space<hbm>>) dst(%dma_wait3A_39 : memref<624x128xf32, #tpu.memory_space<vmem_shared>>)
    %eq3A = arith.constant 0 : i32
    %eq3A_43 = arith.cmpi eq, %arg1, %eq3A : i32
    %convert_element_type3A = arith.extui %eq3A_43 : i1 to i32
    %cond3A = arith.constant 0 : i32
    %cond3A_44 = arith.cmpi ne, %convert_element_type3A, %cond3A : i32
    scf.if %cond3A_44 {
      "tpu.region"() ({
        %run_scoped3A_89 = tpu.sem_alloc : memref<!tpu.dma_semaphore, #tpu.memory_space<semaphore_mem>>
        %dma_start3A_90 = arith.constant 9984 : i32
        %dma_start3A_91 = arith.constant 0 : i32
        %dma_start3A_92 = tpu.memref_slice %arg11[%dma_start3A_90, %dma_start3A_91] : memref<10000x128xf32, #tpu.memory_space<vmem_shared>> -> memref<16x128xf32, #tpu.memory_space<vmem_shared>>
        %dma_start3A_93 = arith.constant 0 : i32
        %dma_start3A_94 = arith.constant 0 : i32
        %dma_start3A_95 = tpu.memref_slice %arg5[%dma_start3A_93, %dma_start3A_94] : memref<624x128xf32, #tpu.memory_space<hbm>> -> memref<16x128xf32, #tpu.memory_space<hbm>>
        tpu.enqueue_dma source(%dma_start3A_95 : memref<16x128xf32, #tpu.memory_space<hbm>>) target(%dma_start3A_92 : memref<16x128xf32, #tpu.memory_space<vmem_shared>>) target_semaphore(%run_scoped3A_89 : memref<!tpu.dma_semaphore, #tpu.memory_space<semaphore_mem>>)
        %dma_wait3A_96 = arith.constant 9984 : i32
        %dma_wait3A_97 = arith.constant 0 : i32
        %dma_wait3A_98 = tpu.memref_slice %arg11[%dma_wait3A_96, %dma_wait3A_97] : memref<10000x128xf32, #tpu.memory_space<vmem_shared>> -> memref<16x128xf32, #tpu.memory_space<vmem_shared>>
        %dma_wait3A_99 = arith.constant 0 : i32
        %dma_wait3A_100 = arith.constant 0 : i32
        %dma_wait3A_101 = tpu.memref_slice %arg5[%dma_wait3A_99, %dma_wait3A_100] : memref<624x128xf32, #tpu.memory_space<hbm>> -> memref<16x128xf32, #tpu.memory_space<hbm>>
        tpu.wait_dma2 semaphore(%run_scoped3A_89 : memref<!tpu.dma_semaphore, #tpu.memory_space<semaphore_mem>>) src(%dma_wait3A_101 : memref<16x128xf32, #tpu.memory_space<hbm>>) dst(%dma_wait3A_98 : memref<16x128xf32, #tpu.memory_space<vmem_shared>>)
        tpu.yield
      }) : () -> ()
    } else {
    }
    %barrier3A = arith.constant 0 : index
    tpu.barrier barrier_id(%barrier3A)
    %scan3A = arith.constant 0 : i32
    %scan3A_45 = arith.constant 62 : i32
    %scan3A_46 = arith.addi %scan3A, %scan3A_45 : i32
    %scan3A_47 = arith.constant 1 : i32
    scf.for %scan3A_89 = %scan3A to %scan3A_46 step %scan3A_47  : i32 {
      %mul3A_90 = arith.constant 1 : i32
      %mul3A_91 = arith.muli %scan3A_89, %mul3A_90 : i32
      %add3A_92 = arith.constant 0 : i32
      %add3A_93 = arith.addi %add3A_92, %mul3A_91 : i32
      %mul3A_94 = arith.constant 2 : i32
      %mul3A_95 = arith.muli %mul3A_94, %add3A_93 : i32
      %dma_wait3A_96 = arith.constant 0 : i32
      %dma_wait3A_97 = arith.constant 0 : i32
      %dma_wait3A_98 = tpu.memref_slice %arg9[%dma_wait3A_96, %dma_wait3A_97] : memref<80x128xf32, #tpu.memory_space<vmem>> -> memref<24x128xf32, #tpu.memory_space<vmem>>
      %dma_wait3A_99 = arith.constant 0 : i32
      %dma_wait3A_100 = tpu.memref_slice %arg8[%dma_wait3A_99] : memref<10000xi32, #tpu.memory_space<vmem>> -> memref<24xi32, #tpu.memory_space<vmem>>
      %dma_wait3A_101 = arith.constant 0 : i32
      %dma_wait3A_102 = arith.constant 0 : i32
      %dma_wait3A_103 = tpu.memref_slice %arg2[%dma_wait3A_101, %dma_wait3A_102] : memref<10000x128xf32, #tpu.memory_space<hbm>> -> memref<10000x128xf32, #tpu.memory_space<hbm>>
      tpu.wait_indirect_dma semaphore(%arg13 : memref<!tpu.dma_semaphore, #tpu.memory_space<semaphore_mem>>) src(%dma_wait3A_103 : memref<10000x128xf32, #tpu.memory_space<hbm>>) dst(%dma_wait3A_98 : memref<24x128xf32, #tpu.memory_space<vmem>>)
      %dma_wait3A_104 = arith.constant 24 : i32
      %dma_wait3A_105 = arith.constant 0 : i32
      %dma_wait3A_106 = tpu.memref_slice %arg9[%dma_wait3A_104, %dma_wait3A_105] : memref<80x128xf32, #tpu.memory_space<vmem>> -> memref<24x128xf32, #tpu.memory_space<vmem>>
      %dma_wait3A_107 = arith.constant 0 : i32
      %dma_wait3A_108 = tpu.memref_slice %arg8[%dma_wait3A_107] : memref<10000xi32, #tpu.memory_space<vmem>> -> memref<24xi32, #tpu.memory_space<vmem>>
      %dma_wait3A_109 = arith.constant 0 : i32
      %dma_wait3A_110 = arith.constant 0 : i32
      %dma_wait3A_111 = tpu.memref_slice %arg2[%dma_wait3A_109, %dma_wait3A_110] : memref<10000x128xf32, #tpu.memory_space<hbm>> -> memref<10000x128xf32, #tpu.memory_space<hbm>>
      tpu.wait_indirect_dma semaphore(%arg14 : memref<!tpu.dma_semaphore, #tpu.memory_space<semaphore_mem>>) src(%dma_wait3A_111 : memref<10000x128xf32, #tpu.memory_space<hbm>>) dst(%dma_wait3A_106 : memref<24x128xf32, #tpu.memory_space<vmem>>)
      %dma_wait3A_112 = arith.constant 48 : i32
      %dma_wait3A_113 = arith.constant 0 : i32
      %dma_wait3A_114 = tpu.memref_slice %arg9[%dma_wait3A_112, %dma_wait3A_113] : memref<80x128xf32, #tpu.memory_space<vmem>> -> memref<16x128xf32, #tpu.memory_space<vmem>>
      %dma_wait3A_115 = arith.constant 0 : i32
      %dma_wait3A_116 = tpu.memref_slice %arg8[%dma_wait3A_115] : memref<10000xi32, #tpu.memory_space<vmem>> -> memref<16xi32, #tpu.memory_space<vmem>>
      %dma_wait3A_117 = arith.constant 0 : i32
      %dma_wait3A_118 = arith.constant 0 : i32
      %dma_wait3A_119 = tpu.memref_slice %arg2[%dma_wait3A_117, %dma_wait3A_118] : memref<10000x128xf32, #tpu.memory_space<hbm>> -> memref<10000x128xf32, #tpu.memory_space<hbm>>
      tpu.wait_indirect_dma semaphore(%arg15 : memref<!tpu.dma_semaphore, #tpu.memory_space<semaphore_mem>>) src(%dma_wait3A_119 : memref<10000x128xf32, #tpu.memory_space<hbm>>) dst(%dma_wait3A_114 : memref<16x128xf32, #tpu.memory_space<vmem>>)
      %dma_wait3A_120 = arith.constant 64 : i32
      %dma_wait3A_121 = arith.constant 0 : i32
      %dma_wait3A_122 = tpu.memref_slice %arg9[%dma_wait3A_120, %dma_wait3A_121] : memref<80x128xf32, #tpu.memory_space<vmem>> -> memref<16x128xf32, #tpu.memory_space<vmem>>
      %dma_wait3A_123 = arith.constant 0 : i32
      %dma_wait3A_124 = tpu.memref_slice %arg8[%dma_wait3A_123] : memref<10000xi32, #tpu.memory_space<vmem>> -> memref<16xi32, #tpu.memory_space<vmem>>
      %dma_wait3A_125 = arith.constant 0 : i32
      %dma_wait3A_126 = arith.constant 0 : i32
      %dma_wait3A_127 = tpu.memref_slice %arg2[%dma_wait3A_125, %dma_wait3A_126] : memref<10000x128xf32, #tpu.memory_space<hbm>> -> memref<10000x128xf32, #tpu.memory_space<hbm>>
      tpu.wait_indirect_dma semaphore(%arg16 : memref<!tpu.dma_semaphore, #tpu.memory_space<semaphore_mem>>) src(%dma_wait3A_127 : memref<10000x128xf32, #tpu.memory_space<hbm>>) dst(%dma_wait3A_122 : memref<16x128xf32, #tpu.memory_space<vmem>>)
      %add3A_128 = arith.constant 1 : i32
      %add3A_129 = arith.addi %mul3A_95, %add3A_128 : i32
      %mul3A_130 = arith.constant 80 : i32
      %mul3A_131 = arith.muli %add3A_129, %mul3A_130 : i32
      %add3A_132 = arith.constant 0 : i32
      %add3A_133 = arith.addi %mul3A_131, %add3A_132 : i32
      %dma_start3A_134 = arith.constant 0 : i32
      %dma_start3A_135 = arith.constant 0 : i32
      %dma_start3A_136 = tpu.memref_slice %arg10[%dma_start3A_134, %dma_start3A_135] : memref<80x128xf32, #tpu.memory_space<vmem>> -> memref<24x128xf32, #tpu.memory_space<vmem>>
      %dma_start3A_137 = tpu.memref_slice %arg8[%add3A_133] : memref<10000xi32, #tpu.memory_space<vmem>> -> memref<24xi32, #tpu.memory_space<vmem>>
      %dma_start3A_138 = arith.constant 0 : i32
      %dma_start3A_139 = arith.constant 0 : i32
      %dma_start3A_140 = tpu.memref_slice %arg2[%dma_start3A_138, %dma_start3A_139] : memref<10000x128xf32, #tpu.memory_space<hbm>> -> memref<10000x128xf32, #tpu.memory_space<hbm>>
      tpu.enqueue_indirect_dma source(%dma_start3A_140 : memref<10000x128xf32, #tpu.memory_space<hbm>>) target(%dma_start3A_136 : memref<24x128xf32, #tpu.memory_space<vmem>>) offsets(%dma_start3A_137 : memref<24xi32, #tpu.memory_space<vmem>>) semaphore(%arg17 : memref<!tpu.dma_semaphore, #tpu.memory_space<semaphore_mem>>)
      %mul3A_141 = arith.constant 80 : i32
      %mul3A_142 = arith.muli %add3A_129, %mul3A_141 : i32
      %add3A_143 = arith.constant 24 : i32
      %add3A_144 = arith.addi %mul3A_142, %add3A_143 : i32
      %dma_start3A_145 = arith.constant 24 : i32
      %dma_start3A_146 = arith.constant 0 : i32
      %dma_start3A_147 = tpu.memref_slice %arg10[%dma_start3A_145, %dma_start3A_146] : memref<80x128xf32, #tpu.memory_space<vmem>> -> memref<24x128xf32, #tpu.memory_space<vmem>>
      %dma_start3A_148 = tpu.memref_slice %arg8[%add3A_144] : memref<10000xi32, #tpu.memory_space<vmem>> -> memref<24xi32, #tpu.memory_space<vmem>>
      %dma_start3A_149 = arith.constant 0 : i32
      %dma_start3A_150 = arith.constant 0 : i32
      %dma_start3A_151 = tpu.memref_slice %arg2[%dma_start3A_149, %dma_start3A_150] : memref<10000x128xf32, #tpu.memory_space<hbm>> -> memref<10000x128xf32, #tpu.memory_space<hbm>>
      tpu.enqueue_indirect_dma source(%dma_start3A_151 : memref<10000x128xf32, #tpu.memory_space<hbm>>) target(%dma_start3A_147 : memref<24x128xf32, #tpu.memory_space<vmem>>) offsets(%dma_start3A_148 : memref<24xi32, #tpu.memory_space<vmem>>) semaphore(%arg18 : memref<!tpu.dma_semaphore, #tpu.memory_space<semaphore_mem>>)
      %mul3A_152 = arith.constant 80 : i32
      %mul3A_153 = arith.muli %add3A_129, %mul3A_152 : i32
      %add3A_154 = arith.constant 48 : i32
      %add3A_155 = arith.addi %mul3A_153, %add3A_154 : i32
      %dma_start3A_156 = arith.constant 48 : i32
      %dma_start3A_157 = arith.constant 0 : i32
      %dma_start3A_158 = tpu.memref_slice %arg10[%dma_start3A_156, %dma_start3A_157] : memref<80x128xf32, #tpu.memory_space<vmem>> -> memref<16x128xf32, #tpu.memory_space<vmem>>
      %dma_start3A_159 = tpu.memref_slice %arg8[%add3A_155] : memref<10000xi32, #tpu.memory_space<vmem>> -> memref<16xi32, #tpu.memory_space<vmem>>
      %dma_start3A_160 = arith.constant 0 : i32
      %dma_start3A_161 = arith.constant 0 : i32
      %dma_start3A_162 = tpu.memref_slice %arg2[%dma_start3A_160, %dma_start3A_161] : memref<10000x128xf32, #tpu.memory_space<hbm>> -> memref<10000x128xf32, #tpu.memory_space<hbm>>
      tpu.enqueue_indirect_dma source(%dma_start3A_162 : memref<10000x128xf32, #tpu.memory_space<hbm>>) target(%dma_start3A_158 : memref<16x128xf32, #tpu.memory_space<vmem>>) offsets(%dma_start3A_159 : memref<16xi32, #tpu.memory_space<vmem>>) semaphore(%arg19 : memref<!tpu.dma_semaphore, #tpu.memory_space<semaphore_mem>>)
      %mul3A_163 = arith.constant 80 : i32
      %mul3A_164 = arith.muli %add3A_129, %mul3A_163 : i32
      %add3A_165 = arith.constant 64 : i32
      %add3A_166 = arith.addi %mul3A_164, %add3A_165 : i32
      %dma_start3A_167 = arith.constant 64 : i32
      %dma_start3A_168 = arith.constant 0 : i32
      %dma_start3A_169 = tpu.memref_slice %arg10[%dma_start3A_167, %dma_start3A_168] : memref<80x128xf32, #tpu.memory_space<vmem>> -> memref<16x128xf32, #tpu.memory_space<vmem>>
      %dma_start3A_170 = tpu.memref_slice %arg8[%add3A_166] : memref<10000xi32, #tpu.memory_space<vmem>> -> memref<16xi32, #tpu.memory_space<vmem>>
      %dma_start3A_171 = arith.constant 0 : i32
      %dma_start3A_172 = arith.constant 0 : i32
      %dma_start3A_173 = tpu.memref_slice %arg2[%dma_start3A_171, %dma_start3A_172] : memref<10000x128xf32, #tpu.memory_space<hbm>> -> memref<10000x128xf32, #tpu.memory_space<hbm>>
      tpu.enqueue_indirect_dma source(%dma_start3A_173 : memref<10000x128xf32, #tpu.memory_space<hbm>>) target(%dma_start3A_169 : memref<16x128xf32, #tpu.memory_space<vmem>>) offsets(%dma_start3A_170 : memref<16xi32, #tpu.memory_space<vmem>>) semaphore(%arg20 : memref<!tpu.dma_semaphore, #tpu.memory_space<semaphore_mem>>)
      "tpu.region"() ({
        %run_scoped3A_254 = tpu.sem_alloc : memref<!tpu.dma_semaphore, #tpu.memory_space<semaphore_mem>>
        %dma_start3A_255 = arith.constant 0 : i32
        %dma_start3A_256 = tpu.memref_slice %arg7[%mul3A_95, %dma_start3A_255] : memref<125x80xi32, #tpu.memory_space<vmem>> -> memref<1x80xi32, #tpu.memory_space<vmem>>
        %dma_start3A_257 = tpu.memref_squeeze %dma_start3A_256 : memref<1x80xi32, #tpu.memory_space<vmem>> -> memref<80xi32, #tpu.memory_space<vmem>>
        %dma_start3A_258 = arith.constant 0 : i32
        %dma_start3A_259 = arith.constant 0 : i32
        %dma_start3A_260 = tpu.memref_slice %arg11[%dma_start3A_258, %dma_start3A_259] : memref<10000x128xf32, #tpu.memory_space<vmem_shared>> -> memref<10000x128xf32, #tpu.memory_space<vmem_shared>>
        tpu.enqueue_indirect_dma source(%arg9 : memref<80x128xf32, #tpu.memory_space<vmem>>) target(%dma_start3A_260 : memref<10000x128xf32, #tpu.memory_space<vmem_shared>>) offsets(%dma_start3A_257 : memref<80xi32, #tpu.memory_space<vmem>>) semaphore(%run_scoped3A_254 : memref<!tpu.dma_semaphore, #tpu.memory_space<semaphore_mem>>) {add = true}
        %dma_wait3A_261 = arith.constant 0 : i32
        %dma_wait3A_262 = tpu.memref_slice %arg7[%mul3A_95, %dma_wait3A_261] : memref<125x80xi32, #tpu.memory_space<vmem>> -> memref<1x80xi32, #tpu.memory_space<vmem>>
        %dma_wait3A_263 = tpu.memref_squeeze %dma_wait3A_262 : memref<1x80xi32, #tpu.memory_space<vmem>> -> memref<80xi32, #tpu.memory_space<vmem>>
        %dma_wait3A_264 = arith.constant 0 : i32
        %dma_wait3A_265 = arith.constant 0 : i32
        %dma_wait3A_266 = tpu.memref_slice %arg11[%dma_wait3A_264, %dma_wait3A_265] : memref<10000x128xf32, #tpu.memory_space<vmem_shared>> -> memref<10000x128xf32, #tpu.memory_space<vmem_shared>>
        tpu.wait_indirect_dma semaphore(%run_scoped3A_254 : memref<!tpu.dma_semaphore, #tpu.memory_space<semaphore_mem>>) src(%arg9 : memref<80x128xf32, #tpu.memory_space<vmem>>) dst(%dma_wait3A_266 : memref<10000x128xf32, #tpu.memory_space<vmem_shared>>)
        tpu.yield
      }) : () -> ()
      %dma_wait3A_174 = arith.constant 0 : i32
      %dma_wait3A_175 = arith.constant 0 : i32
      %dma_wait3A_176 = tpu.memref_slice %arg10[%dma_wait3A_174, %dma_wait3A_175] : memref<80x128xf32, #tpu.memory_space<vmem>> -> memref<24x128xf32, #tpu.memory_space<vmem>>
      %dma_wait3A_177 = arith.constant 0 : i32
      %dma_wait3A_178 = tpu.memref_slice %arg8[%dma_wait3A_177] : memref<10000xi32, #tpu.memory_space<vmem>> -> memref<24xi32, #tpu.memory_space<vmem>>
      %dma_wait3A_179 = arith.constant 0 : i32
      %dma_wait3A_180 = arith.constant 0 : i32
      %dma_wait3A_181 = tpu.memref_slice %arg2[%dma_wait3A_179, %dma_wait3A_180] : memref<10000x128xf32, #tpu.memory_space<hbm>> -> memref<10000x128xf32, #tpu.memory_space<hbm>>
      tpu.wait_indirect_dma semaphore(%arg17 : memref<!tpu.dma_semaphore, #tpu.memory_space<semaphore_mem>>) src(%dma_wait3A_181 : memref<10000x128xf32, #tpu.memory_space<hbm>>) dst(%dma_wait3A_176 : memref<24x128xf32, #tpu.memory_space<vmem>>)
      %dma_wait3A_182 = arith.constant 24 : i32
      %dma_wait3A_183 = arith.constant 0 : i32
      %dma_wait3A_184 = tpu.memref_slice %arg10[%dma_wait3A_182, %dma_wait3A_183] : memref<80x128xf32, #tpu.memory_space<vmem>> -> memref<24x128xf32, #tpu.memory_space<vmem>>
      %dma_wait3A_185 = arith.constant 0 : i32
      %dma_wait3A_186 = tpu.memref_slice %arg8[%dma_wait3A_185] : memref<10000xi32, #tpu.memory_space<vmem>> -> memref<24xi32, #tpu.memory_space<vmem>>
      %dma_wait3A_187 = arith.constant 0 : i32
      %dma_wait3A_188 = arith.constant 0 : i32
      %dma_wait3A_189 = tpu.memref_slice %arg2[%dma_wait3A_187, %dma_wait3A_188] : memref<10000x128xf32, #tpu.memory_space<hbm>> -> memref<10000x128xf32, #tpu.memory_space<hbm>>
      tpu.wait_indirect_dma semaphore(%arg18 : memref<!tpu.dma_semaphore, #tpu.memory_space<semaphore_mem>>) src(%dma_wait3A_189 : memref<10000x128xf32, #tpu.memory_space<hbm>>) dst(%dma_wait3A_184 : memref<24x128xf32, #tpu.memory_space<vmem>>)
      %dma_wait3A_190 = arith.constant 48 : i32
      %dma_wait3A_191 = arith.constant 0 : i32
      %dma_wait3A_192 = tpu.memref_slice %arg10[%dma_wait3A_190, %dma_wait3A_191] : memref<80x128xf32, #tpu.memory_space<vmem>> -> memref<16x128xf32, #tpu.memory_space<vmem>>
      %dma_wait3A_193 = arith.constant 0 : i32
      %dma_wait3A_194 = tpu.memref_slice %arg8[%dma_wait3A_193] : memref<10000xi32, #tpu.memory_space<vmem>> -> memref<16xi32, #tpu.memory_space<vmem>>
      %dma_wait3A_195 = arith.constant 0 : i32
      %dma_wait3A_196 = arith.constant 0 : i32
      %dma_wait3A_197 = tpu.memref_slice %arg2[%dma_wait3A_195, %dma_wait3A_196] : memref<10000x128xf32, #tpu.memory_space<hbm>> -> memref<10000x128xf32, #tpu.memory_space<hbm>>
      tpu.wait_indirect_dma semaphore(%arg19 : memref<!tpu.dma_semaphore, #tpu.memory_space<semaphore_mem>>) src(%dma_wait3A_197 : memref<10000x128xf32, #tpu.memory_space<hbm>>) dst(%dma_wait3A_192 : memref<16x128xf32, #tpu.memory_space<vmem>>)
      %dma_wait3A_198 = arith.constant 64 : i32
      %dma_wait3A_199 = arith.constant 0 : i32
      %dma_wait3A_200 = tpu.memref_slice %arg10[%dma_wait3A_198, %dma_wait3A_199] : memref<80x128xf32, #tpu.memory_space<vmem>> -> memref<16x128xf32, #tpu.memory_space<vmem>>
      %dma_wait3A_201 = arith.constant 0 : i32
      %dma_wait3A_202 = tpu.memref_slice %arg8[%dma_wait3A_201] : memref<10000xi32, #tpu.memory_space<vmem>> -> memref<16xi32, #tpu.memory_space<vmem>>
      %dma_wait3A_203 = arith.constant 0 : i32
      %dma_wait3A_204 = arith.constant 0 : i32
      %dma_wait3A_205 = tpu.memref_slice %arg2[%dma_wait3A_203, %dma_wait3A_204] : memref<10000x128xf32, #tpu.memory_space<hbm>> -> memref<10000x128xf32, #tpu.memory_space<hbm>>
      tpu.wait_indirect_dma semaphore(%arg20 : memref<!tpu.dma_semaphore, #tpu.memory_space<semaphore_mem>>) src(%dma_wait3A_205 : memref<10000x128xf32, #tpu.memory_space<hbm>>) dst(%dma_wait3A_200 : memref<16x128xf32, #tpu.memory_space<vmem>>)
      %add3A_206 = arith.constant 2 : i32
      %add3A_207 = arith.addi %mul3A_95, %add3A_206 : i32
      %mul3A_208 = arith.constant 80 : i32
      %mul3A_209 = arith.muli %add3A_207, %mul3A_208 : i32
      %add3A_210 = arith.constant 0 : i32
      %add3A_211 = arith.addi %mul3A_209, %add3A_210 : i32
      %dma_start3A_212 = arith.constant 0 : i32
      %dma_start3A_213 = arith.constant 0 : i32
      %dma_start3A_214 = tpu.memref_slice %arg9[%dma_start3A_212, %dma_start3A_213] : memref<80x128xf32, #tpu.memory_space<vmem>> -> memref<24x128xf32, #tpu.memory_space<vmem>>
      %dma_start3A_215 = tpu.memref_slice %arg8[%add3A_211] : memref<10000xi32, #tpu.memory_space<vmem>> -> memref<24xi32, #tpu.memory_space<vmem>>
      %dma_start3A_216 = arith.constant 0 : i32
      %dma_start3A_217 = arith.constant 0 : i32
      %dma_start3A_218 = tpu.memref_slice %arg2[%dma_start3A_216, %dma_start3A_217] : memref<10000x128xf32, #tpu.memory_space<hbm>> -> memref<10000x128xf32, #tpu.memory_space<hbm>>
      tpu.enqueue_indirect_dma source(%dma_start3A_218 : memref<10000x128xf32, #tpu.memory_space<hbm>>) target(%dma_start3A_214 : memref<24x128xf32, #tpu.memory_space<vmem>>) offsets(%dma_start3A_215 : memref<24xi32, #tpu.memory_space<vmem>>) semaphore(%arg13 : memref<!tpu.dma_semaphore, #tpu.memory_space<semaphore_mem>>)
      %mul3A_219 = arith.constant 80 : i32
      %mul3A_220 = arith.muli %add3A_207, %mul3A_219 : i32
      %add3A_221 = arith.constant 24 : i32
      %add3A_222 = arith.addi %mul3A_220, %add3A_221 : i32
      %dma_start3A_223 = arith.constant 24 : i32
      %dma_start3A_224 = arith.constant 0 : i32
      %dma_start3A_225 = tpu.memref_slice %arg9[%dma_start3A_223, %dma_start3A_224] : memref<80x128xf32, #tpu.memory_space<vmem>> -> memref<24x128xf32, #tpu.memory_space<vmem>>
      %dma_start3A_226 = tpu.memref_slice %arg8[%add3A_222] : memref<10000xi32, #tpu.memory_space<vmem>> -> memref<24xi32, #tpu.memory_space<vmem>>
      %dma_start3A_227 = arith.constant 0 : i32
      %dma_start3A_228 = arith.constant 0 : i32
      %dma_start3A_229 = tpu.memref_slice %arg2[%dma_start3A_227, %dma_start3A_228] : memref<10000x128xf32, #tpu.memory_space<hbm>> -> memref<10000x128xf32, #tpu.memory_space<hbm>>
      tpu.enqueue_indirect_dma source(%dma_start3A_229 : memref<10000x128xf32, #tpu.memory_space<hbm>>) target(%dma_start3A_225 : memref<24x128xf32, #tpu.memory_space<vmem>>) offsets(%dma_start3A_226 : memref<24xi32, #tpu.memory_space<vmem>>) semaphore(%arg14 : memref<!tpu.dma_semaphore, #tpu.memory_space<semaphore_mem>>)
      %mul3A_230 = arith.constant 80 : i32
      %mul3A_231 = arith.muli %add3A_207, %mul3A_230 : i32
      %add3A_232 = arith.constant 48 : i32
      %add3A_233 = arith.addi %mul3A_231, %add3A_232 : i32
      %dma_start3A_234 = arith.constant 48 : i32
      %dma_start3A_235 = arith.constant 0 : i32
      %dma_start3A_236 = tpu.memref_slice %arg9[%dma_start3A_234, %dma_start3A_235] : memref<80x128xf32, #tpu.memory_space<vmem>> -> memref<16x128xf32, #tpu.memory_space<vmem>>
      %dma_start3A_237 = tpu.memref_slice %arg8[%add3A_233] : memref<10000xi32, #tpu.memory_space<vmem>> -> memref<16xi32, #tpu.memory_space<vmem>>
      %dma_start3A_238 = arith.constant 0 : i32
      %dma_start3A_239 = arith.constant 0 : i32
      %dma_start3A_240 = tpu.memref_slice %arg2[%dma_start3A_238, %dma_start3A_239] : memref<10000x128xf32, #tpu.memory_space<hbm>> -> memref<10000x128xf32, #tpu.memory_space<hbm>>
      tpu.enqueue_indirect_dma source(%dma_start3A_240 : memref<10000x128xf32, #tpu.memory_space<hbm>>) target(%dma_start3A_236 : memref<16x128xf32, #tpu.memory_space<vmem>>) offsets(%dma_start3A_237 : memref<16xi32, #tpu.memory_space<vmem>>) semaphore(%arg15 : memref<!tpu.dma_semaphore, #tpu.memory_space<semaphore_mem>>)
      %mul3A_241 = arith.constant 80 : i32
      %mul3A_242 = arith.muli %add3A_207, %mul3A_241 : i32
      %add3A_243 = arith.constant 64 : i32
      %add3A_244 = arith.addi %mul3A_242, %add3A_243 : i32
      %dma_start3A_245 = arith.constant 64 : i32
      %dma_start3A_246 = arith.constant 0 : i32
      %dma_start3A_247 = tpu.memref_slice %arg9[%dma_start3A_245, %dma_start3A_246] : memref<80x128xf32, #tpu.memory_space<vmem>> -> memref<16x128xf32, #tpu.memory_space<vmem>>
      %dma_start3A_248 = tpu.memref_slice %arg8[%add3A_244] : memref<10000xi32, #tpu.memory_space<vmem>> -> memref<16xi32, #tpu.memory_space<vmem>>
      %dma_start3A_249 = arith.constant 0 : i32
      %dma_start3A_250 = arith.constant 0 : i32
      %dma_start3A_251 = tpu.memref_slice %arg2[%dma_start3A_249, %dma_start3A_250] : memref<10000x128xf32, #tpu.memory_space<hbm>> -> memref<10000x128xf32, #tpu.memory_space<hbm>>
      tpu.enqueue_indirect_dma source(%dma_start3A_251 : memref<10000x128xf32, #tpu.memory_space<hbm>>) target(%dma_start3A_247 : memref<16x128xf32, #tpu.memory_space<vmem>>) offsets(%dma_start3A_248 : memref<16xi32, #tpu.memory_space<vmem>>) semaphore(%arg16 : memref<!tpu.dma_semaphore, #tpu.memory_space<semaphore_mem>>)
      %add3A_252 = arith.constant 1 : i32
      %add3A_253 = arith.addi %mul3A_95, %add3A_252 : i32
      "tpu.region"() ({
        %run_scoped3A_254 = tpu.sem_alloc : memref<!tpu.dma_semaphore, #tpu.memory_space<semaphore_mem>>
        %dma_start3A_255 = arith.constant 0 : i32
        %dma_start3A_256 = tpu.memref_slice %arg7[%add3A_253, %dma_start3A_255] : memref<125x80xi32, #tpu.memory_space<vmem>> -> memref<1x80xi32, #tpu.memory_space<vmem>>
        %dma_start3A_257 = tpu.memref_squeeze %dma_start3A_256 : memref<1x80xi32, #tpu.memory_space<vmem>> -> memref<80xi32, #tpu.memory_space<vmem>>
        %dma_start3A_258 = arith.constant 0 : i32
        %dma_start3A_259 = arith.constant 0 : i32
        %dma_start3A_260 = tpu.memref_slice %arg11[%dma_start3A_258, %dma_start3A_259] : memref<10000x128xf32, #tpu.memory_space<vmem_shared>> -> memref<10000x128xf32, #tpu.memory_space<vmem_shared>>
        tpu.enqueue_indirect_dma source(%arg10 : memref<80x128xf32, #tpu.memory_space<vmem>>) target(%dma_start3A_260 : memref<10000x128xf32, #tpu.memory_space<vmem_shared>>) offsets(%dma_start3A_257 : memref<80xi32, #tpu.memory_space<vmem>>) semaphore(%run_scoped3A_254 : memref<!tpu.dma_semaphore, #tpu.memory_space<semaphore_mem>>) {add = true}
        %dma_wait3A_261 = arith.constant 0 : i32
        %dma_wait3A_262 = tpu.memref_slice %arg7[%add3A_253, %dma_wait3A_261] : memref<125x80xi32, #tpu.memory_space<vmem>> -> memref<1x80xi32, #tpu.memory_space<vmem>>
        %dma_wait3A_263 = tpu.memref_squeeze %dma_wait3A_262 : memref<1x80xi32, #tpu.memory_space<vmem>> -> memref<80xi32, #tpu.memory_space<vmem>>
        %dma_wait3A_264 = arith.constant 0 : i32
        %dma_wait3A_265 = arith.constant 0 : i32
        %dma_wait3A_266 = tpu.memref_slice %arg11[%dma_wait3A_264, %dma_wait3A_265] : memref<10000x128xf32, #tpu.memory_space<vmem_shared>> -> memref<10000x128xf32, #tpu.memory_space<vmem_shared>>
        tpu.wait_indirect_dma semaphore(%run_scoped3A_254 : memref<!tpu.dma_semaphore, #tpu.memory_space<semaphore_mem>>) src(%arg10 : memref<80x128xf32, #tpu.memory_space<vmem>>) dst(%dma_wait3A_266 : memref<10000x128xf32, #tpu.memory_space<vmem_shared>>)
        tpu.yield
      }) : () -> ()
    }
    %scan3A_48 = arith.constant 62 : i32
    %dma_wait3A_49 = arith.constant 0 : i32
    %dma_wait3A_50 = arith.constant 0 : i32
    %dma_wait3A_51 = tpu.memref_slice %arg9[%dma_wait3A_49, %dma_wait3A_50] : memref<80x128xf32, #tpu.memory_space<vmem>> -> memref<24x128xf32, #tpu.memory_space<vmem>>
    %dma_wait3A_52 = arith.constant 0 : i32
    %dma_wait3A_53 = tpu.memref_slice %arg8[%dma_wait3A_52] : memref<10000xi32, #tpu.memory_space<vmem>> -> memref<24xi32, #tpu.memory_space<vmem>>
    %dma_wait3A_54 = arith.constant 0 : i32
    %dma_wait3A_55 = arith.constant 0 : i32
    %dma_wait3A_56 = tpu.memref_slice %arg2[%dma_wait3A_54, %dma_wait3A_55] : memref<10000x128xf32, #tpu.memory_space<hbm>> -> memref<10000x128xf32, #tpu.memory_space<hbm>>
    tpu.wait_indirect_dma semaphore(%arg13 : memref<!tpu.dma_semaphore, #tpu.memory_space<semaphore_mem>>) src(%dma_wait3A_56 : memref<10000x128xf32, #tpu.memory_space<hbm>>) dst(%dma_wait3A_51 : memref<24x128xf32, #tpu.memory_space<vmem>>)
    %dma_wait3A_57 = arith.constant 24 : i32
    %dma_wait3A_58 = arith.constant 0 : i32
    %dma_wait3A_59 = tpu.memref_slice %arg9[%dma_wait3A_57, %dma_wait3A_58] : memref<80x128xf32, #tpu.memory_space<vmem>> -> memref<24x128xf32, #tpu.memory_space<vmem>>
    %dma_wait3A_60 = arith.constant 0 : i32
    %dma_wait3A_61 = tpu.memref_slice %arg8[%dma_wait3A_60] : memref<10000xi32, #tpu.memory_space<vmem>> -> memref<24xi32, #tpu.memory_space<vmem>>
    %dma_wait3A_62 = arith.constant 0 : i32
    %dma_wait3A_63 = arith.constant 0 : i32
    %dma_wait3A_64 = tpu.memref_slice %arg2[%dma_wait3A_62, %dma_wait3A_63] : memref<10000x128xf32, #tpu.memory_space<hbm>> -> memref<10000x128xf32, #tpu.memory_space<hbm>>
    tpu.wait_indirect_dma semaphore(%arg14 : memref<!tpu.dma_semaphore, #tpu.memory_space<semaphore_mem>>) src(%dma_wait3A_64 : memref<10000x128xf32, #tpu.memory_space<hbm>>) dst(%dma_wait3A_59 : memref<24x128xf32, #tpu.memory_space<vmem>>)
    %dma_wait3A_65 = arith.constant 48 : i32
    %dma_wait3A_66 = arith.constant 0 : i32
    %dma_wait3A_67 = tpu.memref_slice %arg9[%dma_wait3A_65, %dma_wait3A_66] : memref<80x128xf32, #tpu.memory_space<vmem>> -> memref<16x128xf32, #tpu.memory_space<vmem>>
    %dma_wait3A_68 = arith.constant 0 : i32
    %dma_wait3A_69 = tpu.memref_slice %arg8[%dma_wait3A_68] : memref<10000xi32, #tpu.memory_space<vmem>> -> memref<16xi32, #tpu.memory_space<vmem>>
    %dma_wait3A_70 = arith.constant 0 : i32
    %dma_wait3A_71 = arith.constant 0 : i32
    %dma_wait3A_72 = tpu.memref_slice %arg2[%dma_wait3A_70, %dma_wait3A_71] : memref<10000x128xf32, #tpu.memory_space<hbm>> -> memref<10000x128xf32, #tpu.memory_space<hbm>>
    tpu.wait_indirect_dma semaphore(%arg15 : memref<!tpu.dma_semaphore, #tpu.memory_space<semaphore_mem>>) src(%dma_wait3A_72 : memref<10000x128xf32, #tpu.memory_space<hbm>>) dst(%dma_wait3A_67 : memref<16x128xf32, #tpu.memory_space<vmem>>)
    %dma_wait3A_73 = arith.constant 64 : i32
    %dma_wait3A_74 = arith.constant 0 : i32
    %dma_wait3A_75 = tpu.memref_slice %arg9[%dma_wait3A_73, %dma_wait3A_74] : memref<80x128xf32, #tpu.memory_space<vmem>> -> memref<16x128xf32, #tpu.memory_space<vmem>>
    %dma_wait3A_76 = arith.constant 0 : i32
    %dma_wait3A_77 = tpu.memref_slice %arg8[%dma_wait3A_76] : memref<10000xi32, #tpu.memory_space<vmem>> -> memref<16xi32, #tpu.memory_space<vmem>>
    %dma_wait3A_78 = arith.constant 0 : i32
    %dma_wait3A_79 = arith.constant 0 : i32
    %dma_wait3A_80 = tpu.memref_slice %arg2[%dma_wait3A_78, %dma_wait3A_79] : memref<10000x128xf32, #tpu.memory_space<hbm>> -> memref<10000x128xf32, #tpu.memory_space<hbm>>
    tpu.wait_indirect_dma semaphore(%arg16 : memref<!tpu.dma_semaphore, #tpu.memory_space<semaphore_mem>>) src(%dma_wait3A_80 : memref<10000x128xf32, #tpu.memory_space<hbm>>) dst(%dma_wait3A_75 : memref<16x128xf32, #tpu.memory_space<vmem>>)
    %run_scoped3A = arith.constant 124 : i32
    "tpu.region"() ({
      %run_scoped3A_89 = tpu.sem_alloc : memref<!tpu.dma_semaphore, #tpu.memory_space<semaphore_mem>>
      %dma_start3A_90 = arith.constant 0 : i32
      %dma_start3A_91 = tpu.memref_slice %arg7[%run_scoped3A, %dma_start3A_90] : memref<125x80xi32, #tpu.memory_space<vmem>> -> memref<1x80xi32, #tpu.memory_space<vmem>>
      %dma_start3A_92 = tpu.memref_squeeze %dma_start3A_91 : memref<1x80xi32, #tpu.memory_space<vmem>> -> memref<80xi32, #tpu.memory_space<vmem>>
      %dma_start3A_93 = arith.constant 0 : i32
      %dma_start3A_94 = arith.constant 0 : i32
      %dma_start3A_95 = tpu.memref_slice %arg11[%dma_start3A_93, %dma_start3A_94] : memref<10000x128xf32, #tpu.memory_space<vmem_shared>> -> memref<10000x128xf32, #tpu.memory_space<vmem_shared>>
      tpu.enqueue_indirect_dma source(%arg9 : memref<80x128xf32, #tpu.memory_space<vmem>>) target(%dma_start3A_95 : memref<10000x128xf32, #tpu.memory_space<vmem_shared>>) offsets(%dma_start3A_92 : memref<80xi32, #tpu.memory_space<vmem>>) semaphore(%run_scoped3A_89 : memref<!tpu.dma_semaphore, #tpu.memory_space<semaphore_mem>>) {add = true}
      %dma_wait3A_96 = arith.constant 0 : i32
      %dma_wait3A_97 = tpu.memref_slice %arg7[%run_scoped3A, %dma_wait3A_96] : memref<125x80xi32, #tpu.memory_space<vmem>> -> memref<1x80xi32, #tpu.memory_space<vmem>>
      %dma_wait3A_98 = tpu.memref_squeeze %dma_wait3A_97 : memref<1x80xi32, #tpu.memory_space<vmem>> -> memref<80xi32, #tpu.memory_space<vmem>>
      %dma_wait3A_99 = arith.constant 0 : i32
      %dma_wait3A_100 = arith.constant 0 : i32
      %dma_wait3A_101 = tpu.memref_slice %arg11[%dma_wait3A_99, %dma_wait3A_100] : memref<10000x128xf32, #tpu.memory_space<vmem_shared>> -> memref<10000x128xf32, #tpu.memory_space<vmem_shared>>
      tpu.wait_indirect_dma semaphore(%run_scoped3A_89 : memref<!tpu.dma_semaphore, #tpu.memory_space<semaphore_mem>>) src(%arg9 : memref<80x128xf32, #tpu.memory_space<vmem>>) dst(%dma_wait3A_101 : memref<10000x128xf32, #tpu.memory_space<vmem_shared>>)
      tpu.yield
    }) : () -> ()
    %barrier3A_81 = arith.constant 0 : index
    tpu.barrier barrier_id(%barrier3A_81)
    %mul3A_82 = arith.constant 624 : i32
    %mul3A_83 = arith.muli %arg1, %mul3A_82 : i32
    "tpu.region"() ({
      %run_scoped3A_89 = tpu.sem_alloc : memref<!tpu.dma_semaphore, #tpu.memory_space<semaphore_mem>>
      %dma_start3A_90 = arith.constant 0 : i32
      %dma_start3A_91 = tpu.memref_slice %arg6[%arg0, %mul3A_83, %dma_start3A_90] : memref<2x10000x128xf32, #tpu.memory_space<hbm>> -> memref<1x624x128xf32, #tpu.memory_space<hbm>>
      %dma_start3A_92 = tpu.memref_squeeze %dma_start3A_91 : memref<1x624x128xf32, #tpu.memory_space<hbm>> -> memref<624x128xf32, #tpu.memory_space<hbm>>
      %dma_start3A_93 = arith.constant 0 : i32
      %dma_start3A_94 = tpu.memref_slice %arg11[%mul3A_83, %dma_start3A_93] : memref<10000x128xf32, #tpu.memory_space<vmem_shared>> -> memref<624x128xf32, #tpu.memory_space<vmem_shared>>
      tpu.enqueue_dma source(%dma_start3A_94 : memref<624x128xf32, #tpu.memory_space<vmem_shared>>) target(%dma_start3A_92 : memref<624x128xf32, #tpu.memory_space<hbm>>) target_semaphore(%run_scoped3A_89 : memref<!tpu.dma_semaphore, #tpu.memory_space<semaphore_mem>>)
      %dma_wait3A_95 = arith.constant 0 : i32
      %dma_wait3A_96 = tpu.memref_slice %arg6[%arg0, %mul3A_83, %dma_wait3A_95] : memref<2x10000x128xf32, #tpu.memory_space<hbm>> -> memref<1x624x128xf32, #tpu.memory_space<hbm>>
      %dma_wait3A_97 = tpu.memref_squeeze %dma_wait3A_96 : memref<1x624x128xf32, #tpu.memory_space<hbm>> -> memref<624x128xf32, #tpu.memory_space<hbm>>
      %dma_wait3A_98 = arith.constant 0 : i32
      %dma_wait3A_99 = tpu.memref_slice %arg11[%mul3A_83, %dma_wait3A_98] : memref<10000x128xf32, #tpu.memory_space<vmem_shared>> -> memref<624x128xf32, #tpu.memory_space<vmem_shared>>
      tpu.wait_dma2 semaphore(%run_scoped3A_89 : memref<!tpu.dma_semaphore, #tpu.memory_space<semaphore_mem>>) src(%dma_wait3A_99 : memref<624x128xf32, #tpu.memory_space<vmem_shared>>) dst(%dma_wait3A_97 : memref<624x128xf32, #tpu.memory_space<hbm>>)
      tpu.yield
    }) : () -> ()
    %eq3A_84 = arith.constant 0 : i32
    %eq3A_85 = arith.cmpi eq, %arg1, %eq3A_84 : i32
    %convert_element_type3A_86 = arith.extui %eq3A_85 : i1 to i32
    %cond3A_87 = arith.constant 0 : i32
    %cond3A_88 = arith.cmpi ne, %convert_element_type3A_86, %cond3A_87 : i32
    scf.if %cond3A_88 {
      "tpu.region"() ({
        %run_scoped3A_89 = tpu.sem_alloc : memref<!tpu.dma_semaphore, #tpu.memory_space<semaphore_mem>>
        %dma_start3A_90 = arith.constant 9984 : i32
        %dma_start3A_91 = arith.constant 0 : i32
        %dma_start3A_92 = tpu.memref_slice %arg6[%arg0, %dma_start3A_90, %dma_start3A_91] : memref<2x10000x128xf32, #tpu.memory_space<hbm>> -> memref<1x16x128xf32, #tpu.memory_space<hbm>>
        %dma_start3A_93 = tpu.memref_squeeze %dma_start3A_92 : memref<1x16x128xf32, #tpu.memory_space<hbm>> -> memref<16x128xf32, #tpu.memory_space<hbm>>
        %dma_start3A_94 = arith.constant 9984 : i32
        %dma_start3A_95 = arith.constant 0 : i32
        %dma_start3A_96 = tpu.memref_slice %arg11[%dma_start3A_94, %dma_start3A_95] : memref<10000x128xf32, #tpu.memory_space<vmem_shared>> -> memref<16x128xf32, #tpu.memory_space<vmem_shared>>
        tpu.enqueue_dma source(%dma_start3A_96 : memref<16x128xf32, #tpu.memory_space<vmem_shared>>) target(%dma_start3A_93 : memref<16x128xf32, #tpu.memory_space<hbm>>) target_semaphore(%run_scoped3A_89 : memref<!tpu.dma_semaphore, #tpu.memory_space<semaphore_mem>>)
        %dma_wait3A_97 = arith.constant 9984 : i32
        %dma_wait3A_98 = arith.constant 0 : i32
        %dma_wait3A_99 = tpu.memref_slice %arg6[%arg0, %dma_wait3A_97, %dma_wait3A_98] : memref<2x10000x128xf32, #tpu.memory_space<hbm>> -> memref<1x16x128xf32, #tpu.memory_space<hbm>>
        %dma_wait3A_100 = tpu.memref_squeeze %dma_wait3A_99 : memref<1x16x128xf32, #tpu.memory_space<hbm>> -> memref<16x128xf32, #tpu.memory_space<hbm>>
        %dma_wait3A_101 = arith.constant 9984 : i32
        %dma_wait3A_102 = arith.constant 0 : i32
        %dma_wait3A_103 = tpu.memref_slice %arg11[%dma_wait3A_101, %dma_wait3A_102] : memref<10000x128xf32, #tpu.memory_space<vmem_shared>> -> memref<16x128xf32, #tpu.memory_space<vmem_shared>>
        tpu.wait_dma2 semaphore(%run_scoped3A_89 : memref<!tpu.dma_semaphore, #tpu.memory_space<semaphore_mem>>) src(%dma_wait3A_103 : memref<16x128xf32, #tpu.memory_space<vmem_shared>>) dst(%dma_wait3A_100 : memref<16x128xf32, #tpu.memory_space<hbm>>)
        tpu.yield
      }) : () -> ()
    } else {
    }
    return
  }
}

module attributes {stable_mosaic.version = 14 : i64} {
  func.func @_add_body(%arg0: i32, %arg1: memref<1x2000x128xf32, #tpu.memory_space<vmem>>, %arg2: memref<1x2000x128xf32, #tpu.memory_space<vmem>>, %arg3: memref<2000x128xf32, #tpu.memory_space<vmem>>) attributes {dimension_semantics = [#tpu.dimension_semantics<arbitrary>], iteration_bounds = array<i64: 5>, scalar_prefetch = 0 : i64, scratch_operands = 0 : i64, tpu.core_type = #tpu.core_type<tc>, window_params = [{transform_indices = @transform_0, window_bounds = array<i64: 1, 2000, 128>}, {transform_indices = @transform_1, window_bounds = array<i64: 1, 2000, 128>}, {transform_indices = @transform_2, window_bounds = array<i64: 2000, 128>}]} {
    %get3A = arith.constant 0 : index
    %get3A_0 = arith.constant 0 : index
    %get3A_1 = arith.constant 0 : index
    %get3A_2 = vector.load %arg1[%get3A, %get3A_0, %get3A_1] : memref<1x2000x128xf32, #tpu.memory_space<vmem>>, vector<1x2000x128xf32>
    %get3A_3 = vector.shape_cast %get3A_2 : vector<1x2000x128xf32> to vector<2000x128xf32>
    %get3A_4 = arith.constant 0 : index
    %get3A_5 = arith.constant 0 : index
    %get3A_6 = arith.constant 0 : index
    %get3A_7 = vector.load %arg2[%get3A_4, %get3A_5, %get3A_6] : memref<1x2000x128xf32, #tpu.memory_space<vmem>>, vector<1x2000x128xf32>
    %get3A_8 = vector.shape_cast %get3A_7 : vector<1x2000x128xf32> to vector<2000x128xf32>
    %add3A = arith.addf %get3A_3, %get3A_8 : vector<2000x128xf32>
    %swap3A = arith.constant 0 : index
    %swap3A_9 = arith.constant 0 : index
    %swap3A_10 = vector.load %arg3[%swap3A, %swap3A_9] : memref<2000x128xf32, #tpu.memory_space<vmem>>, vector<2000x128xf32>
    tpu.vector_store %arg3[%swap3A, %swap3A_9], %add3A {strides = array<i32>} : memref<2000x128xf32, #tpu.memory_space<vmem>>, vector<2000x128xf32>,
    return
  }
  func.func @transform_0(%arg0: i32) -> (i32, i32, i32) {
    %c0_i32 = arith.constant 0 : i32
    %c0_i32_0 = arith.constant 0 : i32
    %c0_i32_1 = arith.constant 0 : i32
    return %c0_i32, %arg0, %c0_i32_0 : i32, i32, i32
  }
  func.func @transform_1(%arg0: i32) -> (i32, i32, i32) {
    %c1_i32 = arith.constant 1 : i32
    %c0_i32 = arith.constant 0 : i32
    %c0_i32_0 = arith.constant 0 : i32
    return %c1_i32, %arg0, %c0_i32 : i32, i32, i32
  }
  func.func @transform_2(%arg0: i32) -> (i32, i32) {
    %c0_i32 = arith.constant 0 : i32
    %c0_i32_0 = arith.constant 0 : i32
    return %arg0, %c0_i32 : i32, i32
  }
}

</mosaic_0001>

<sc_bundles>
// kernel: kernel.4.cloned.1.call-start
scs
__scs_entry_jumppad:
0x0: {  	(pc) =	sbr.rel $0x88, $3  }
0x1: {  	(tag) =	ssettag $0x0;
	lr =	simm.s32 $0x1  }
0x2: {  	[smem:$0x3F9F] =	sst lr;
	_ =	strace $0xD0000000  }
0x3: {  	_ = 	snop  }
0x4: {  	_ = 	snop  }
0x5: {  	_ = 	snop  }
0x6: {  	_ = 	snop  }
0x7: {  	_ = 	snop  }
__scs_overlays_trampoline_lowered:
0x8: {  	[smem:$0x3FAE] =	sst s0  }
0x9: {  	[smem:$0x3FAF] =	sst s1  }
0xa: {  	[smem:$0x3FB0] =	sst s2  }
0xb: {  	[smem:$0x3FB1] =	sst s3  }
0xc: {  	[smem:$0x3FB2] =	sst s4  }
0xd: {  	[smem:$0x3FB3] =	sst s5  }
0xe: {  	[smem:$0x3FB4] =	sst s6  }
0xf: {  	[smem:$0x3FB5] =	sst s7  }
0x10: {  	[smem:$0x3FB6] =	sst s8  }
0x11: {  	[smem:$0x3FB7] =	sst s9;
	s0 =	simm.s32 @!p0 $0x0  }
0x12: {  	s1 =	sld [smem:$0x3F9D];
	s0 =	simm.s32 @p0 $0x1  }
0x13: {  	[smem:$0x3FB8] =	sst s0;
	s0 =	simm.s32 @!p1 $0x0  }
0x14: {  	s2 =	sld [smem:$0x3F9C];
	s0 =	simm.s32 @p1 $0x1  }
0x15: {  	[smem:$0x3FB9] =	sst s0;
	s0 =	simm.s32 @!p2 $0x0  }
0x16: {  	s3 =	sld [smem:$0x3FDB];
	s0 =	simm.s32 @p2 $0x1  }
0x17: {  	s4 =	simm.s32 $0x1BF5;
	[smem:$0x3FBB] =	sst s0  }
0x18: {  	s0 =	sld [smem:$0x3F9E];
	_ =	swait.ge [sflag:s4], $0x0  }
0x19: {  	s7 =	sld [smem:$0x3F9F]  }
0x1a: {  	s8 =	sadd.s32 $0xFFFFE003, lr  }
0x1b: {  	s9 =	sadd.s32 $0xFFFFFEF7, lr;
	s5 =	simm.s32 $0xFFFFFFFF;
	p2 =	slt.u32 s8, $0xFFFFF086  }
0x1c: {  	p1 =	slt.u32 s9, $0xF7A;
	s5 =	simm.s32 @!p2 $0x0  }
0x1d: {  	s5 =	simm.s32 @p1 $0x1;
	p0 =	seq.s32 s7, s2  }
0x1e: {  	s7 =	smul.u32 @!p0 $0xF7A, s2;
	p2 =	seq.s32 @!p0 s5, $0x0  }
0x1f: {  	s9 =	smul.u32 $0xF7A, s1;
	s8 =	simm.s32 @!p0 $0x1BF5;
	p2 =	por !p2, p0  }
0x20: {  	[sflag:s8] =	ssyncset.s32 @!p0 $0xFFFFF086;
	s6 =	sadd.s32 @!p0 s3, s7;
	s7 =	simm.s32 @!p0 $0x108  }
0x21: {  	s3 =	sadd.s32 s3, s9;
	s6 =	sadd.s32 @!p0 $0x88, s6;
	s7 =	simm.s32 @p2 $0x1082  }
0x22: {  	[simem:s7], [sflag:s8] =	dma.local @!p0 [hbm:s6], $0xF7A  }
0x23: {  	s9 =	sor.u32 $0xD0000000, s2;
	s6 =	simm.s32 $0x108;
	_ =	swait.ge @!p0 [sflag:s8], $0x0  }
0x24: {  	s3 =	sadd.s32 $0x88, s3;
	s6 =	simm.s32 @!p1 $0x1082;
	[sflag:s4] =	ssyncset.s32 $0xFFFFF086  }
0x25: {  	[simem:s6], [sflag:s4] =	dma.local [hbm:s3], $0xF7A  }
0x26: {  	[smem:$0x3F9F] =	sst s1;
	(tag) =	ssettag s2;
	_ =	strace s9  }
0x27: {  	s1 =	sld [smem:$0x3FAF]  }
0x28: {  	s2 =	sld [smem:$0x3FB0]  }
0x29: {  	s4 =	sld [smem:$0x3FB2]  }
0x2a: {  	p0 =	seq.s32 s5, $0x0;
	s5 =	sld [smem:$0x3FB3]  }
0x2b: {  	s6 =	sld [smem:$0x3FB4]  }
0x2c: {  	s7 =	sld [smem:$0x3FB5]  }
0x2d: {  	s3 =	simm.s32 $0x108;
	s8 =	sld [smem:$0x3FB6]  }
0x2e: {  	s3 =	simm.s32 @!p0 $0x1082;
	s9 =	sld [smem:$0x3FB7]  }
0x2f: {  	lr =	sadd.s32 s0, s3;
	s0 =	sld [smem:$0x3FAE]  }
0x30: {  	s3 =	sld [smem:$0x3FB1]  }
0x31: {  	[smem:$0x3FBA] =	sst s10  }
0x32: {  	s10 =	sld [smem:$0x3FB8];
	_ =	sdelay $0x3  }
0x33: {  	p0 =	seq.s32 s10, $0x1;
	s10 =	sld [smem:$0x3FBA];
	_ =	sdelay $0x3  }
0x34: {  	[smem:$0x3FBA] =	sst s10  }
0x35: {  	s10 =	sld [smem:$0x3FB9];
	_ =	sdelay $0x3  }
0x36: {  	p1 =	seq.s32 s10, $0x1;
	s10 =	sld [smem:$0x3FBA];
	_ =	sdelay $0x3  }
0x37: {  	[smem:$0x3FBA] =	sst s10  }
0x38: {  	s10 =	sld [smem:$0x3FBB]  }
0x39: {  	_ = 	snop;
	(pc) =	sbr.ind lr, $3  }
0x3a: {  	_ = 	snop  }
0x3b: {  	_ = 	snop  }
0x3c: {  	p2 =	seq.s32 s10, $0x1;
	s10 =	sld [smem:$0x3FBA]  }
0x3d: {  	_ =	shalt  }
0x3e: {  	_ =	shalt  }
0x3f: {  	_ =	shalt  }
0x40: {  	_ =	shalt  }
0x41: {  	_ =	shalt  }
0x42: {  	_ =	shalt  }
0x43: {  	_ =	shalt  }
0x44: {  	_ =	shalt  }
0x45: {  	_ =	shalt  }
0x46: {  	_ =	shalt  }
0x47: {  	_ =	shalt  }
0x48: {  	_ =	shalt  }
0x49: {  	_ =	shalt  }
0x4a: {  	_ =	shalt  }
0x4b: {  	_ =	shalt  }
0x4c: {  	_ =	shalt  }
0x4d: {  	_ =	shalt  }
0x4e: {  	_ =	shalt  }
0x4f: {  	_ =	shalt  }
0x50: {  	_ =	shalt  }
0x51: {  	_ =	shalt  }
0x52: {  	_ =	shalt  }
0x53: {  	_ =	shalt  }
0x54: {  	_ =	shalt  }
0x55: {  	_ =	shalt  }
0x56: {  	_ =	shalt  }
0x57: {  	_ =	shalt  }
0x58: {  	_ =	shalt  }
0x59: {  	_ =	shalt  }
0x5a: {  	_ =	shalt  }
0x5b: {  	_ =	shalt  }
0x5c: {  	_ =	shalt  }
0x5d: {  	_ =	shalt  }
0x5e: {  	_ =	shalt  }
0x5f: {  	_ =	shalt  }
0x60: {  	_ =	shalt  }
0x61: {  	_ =	shalt  }
0x62: {  	_ =	shalt  }
0x63: {  	_ =	shalt  }
0x64: {  	_ =	shalt  }
0x65: {  	_ =	shalt  }
0x66: {  	_ =	shalt  }
0x67: {  	_ =	shalt  }
0x68: {  	_ =	shalt  }
0x69: {  	_ =	shalt  }
0x6a: {  	_ =	shalt  }
0x6b: {  	_ =	shalt  }
0x6c: {  	_ =	shalt  }
0x6d: {  	_ =	shalt  }
0x6e: {  	_ =	shalt  }
0x6f: {  	_ =	shalt  }
0x70: {  	_ =	shalt  }
0x71: {  	_ =	shalt  }
0x72: {  	_ =	shalt  }
0x73: {  	_ =	shalt  }
0x74: {  	_ =	shalt  }
0x75: {  	_ =	shalt  }
0x76: {  	_ =	shalt  }
0x77: {  	_ =	shalt  }
0x78: {  	_ =	shalt  }
0x79: {  	_ =	shalt  }
0x7a: {  	_ =	shalt  }
0x7b: {  	_ =	shalt  }
0x7c: {  	_ =	shalt  }
0x7d: {  	_ =	shalt  }
0x7e: {  	_ =	shalt  }
0x7f: {  	_ =	shalt  }
0x80: {  	_ =	shalt  }
0x81: {  	_ =	shalt  }
0x82: {  	_ =	shalt  }
0x83: {  	_ =	shalt  }
0x84: {  	_ =	shalt  }
0x85: {  	_ =	shalt  }
0x86: {  	_ =	shalt  }
0x87: {  	_ =	shalt  }
.Lfunc_end0:
.L_simem_size_0:
called_computation_lowered:
.L_overlay_start_0:
0x88: {  	s2 =	sld [smem:$0x3FD9]  }
0x89: {  	s3 =	sld [smem:$0x3FFE];
	_ =	sdelay $0x1  }
0x8a: {  	s1 =	srdreg.scid  }
0x8b: {  	s0 =	sand.u32 $0x1, s1  }
0x8c: {  	s17 =	sshll.u32 s0, $0xA;
	s2 =	sadd.s32 s3, s2  }
0x8d: {  	s2 =	sadd.s32 s2, s17  }
0x8e: {  	[smem:$0x3FC6] =	sst s2  }
0x8f: {  	_ = 	snop  }
0x90: {  	s2 =	sld [smem:$0x3FC9]  }
0x91: {  	s18 =	sld [smem:$0x3FD0];
	(tm) =	ssettm $0x1  }
0x92: {  	s4 =	sld [smem:$0x3FFB];
	_ =	sdelay $0x3  }
0x93: {  	_ =	strace s4  }
0x94: {  	s4 =	sld [smem:$0x3FFC];
	_ =	sdelay $0x3  }
0x95: {  	_ =	strace s4  }
0x96: {  	s4 =	sld [smem:$0x3FFD];
	_ =	sdelay $0x3  }
0x97: {  	_ =	strace s4  }
0x98: {  	_ =	strace $0x8FFFFFFF  }
0x99: {  	s19 =	sld [smem:$0x3FDB];
	_ =	sdelay $0x1  }
0x9a: {  	s5 =	simm.s32 $_scs_section_size  }
0x9b: {  	s6 =	simm.s32 $_size__tile_overlayer_lowered;
	s7 =	simm.s32 $_tile_overlayer_lowered  }
0x9c: {  	s22 =	simm.s32 $0x1BFF;
	s21 =	sshll.u32 s7, $0x1;
	s4 =	sadd.s32 s5, s19  }
0x9d: {  	s8 =	simm.s32 $0x0;
	s20 =	sshll.u32 s6, $0x1;
	s6 =	sadd.s32 s21, s4  }
0x9e: {  	[timem:s8], [sflag:s22] =	dma.local [hbm:s6], s20  }
0x9f: {  	_ =	swait.ge [sflag:s22], s20  }
0xa0: {  	s5 =	ssub.s32 $0x0, s20;
	[sflag:s22] =	ssyncset.done $0x0  }
0xa1: {  	[sflag:s22] =	ssyncadd.s32 s5;
	_ =	sdelay $0x1  }
0xa2: {  	s23 =	simm.s32 $0x1B8B  }
0xa3: {  	_ =	swait.ge [sflag:s23], $0x1  }
0xa4: {  	[sflag:s23] =	ssyncset.done $0x0  }
0xa5: {  	s25 =	simm.s32 $0x1B8E;
	s24 =	sld [smem:$0x3FFE];
	[sflag:s23] =	ssyncadd.s32 $0xFFFFFFFF  }
0xa6: {  	s26 =	simm.s32 $execute0_lowered;
	[smem:$0x3FD2] =	sst s25  }
0xa7: {  	s6 =	sshll.u32 s26, $0x1;
	_ =	strace $0x80000046;
	[dreg:$0x1] =	wrdreg $0xFFFFFFFF  }
0xa8: {  	s28 =	simm.s32 $_size_execute0_lowered;
	s4 =	sadd.s32 s4, s6;
	[dreg:$0x0] =	wrdreg $0x0  }
0xa9: {  	s6 =	sshll.u32 s28, $0x1;
	[dreg:$0x2] =	wrdreg s4  }
0xaa: {  	[dreg:$0x3] =	wrdreg s6  }
0xab: {  	[dreg:$0x4] =	wrdreg $0xC0  }
0xac: {  	_ =	task [dreg:s8], $0x5FFFF  }
0xad: {  	[dreg:$0x1] =	wrdreg $0xFFFFFFFF  }
0xae: {  	[dreg:$0x0] =	wrdreg $0x60  }
0xaf: {  	[dreg:$0x2] =	wrdreg s2  }
0xb0: {  	[dreg:$0x3] =	wrdreg s18  }
0xb1: {  	[dreg:$0x4] =	wrdreg s24  }
0xb2: {  	[dreg:$0x5] =	wrdreg $0xB7800  }
0xb3: {  	[dreg:$0x6] =	wrdreg $0x9  }
0xb4: {  	_ =	task.clear_ibuf [dreg:s8], $0x7FFFF;
	_ =	strace $0x90000046  }
0xb5: {  	s29 =	simm.s32 $0x9;
	_ =	strace $0x80000048  }
0xb6: {  	_ =	swait.ge [sflag:s29], $0x1  }
0xb7: {  	[sflag:s29] =	ssyncadd.s32 $0xFFFFFFFF  }
0xb8: {  	_ =	strace $0x90000048  }
0xb9: {  	_ =	sfence  }
0xba: {  	s30 =	sld [smem:$0x0];
	_ =	sdelay $0x2  }
0xbb: {  	s31 =	sshll.u32 s1, $0xD;
	s1 =	sshrl.u32 s1, $0x2  }
0xbc: {  	s3 =	sand.u32 $0x4000, s31;
	s1 =	sadd.s32 s1, s30  }
0xbd: {  	s0 =	sor.u32 s3, s0;
	s1 =	sshll.u32 s1, $0x11  }
0xbe: {  	s0 =	sor.u32 s1, s0  }
0xbf: {  	s0 =	sadd.s32 $0x8F2B, s0  }
0xc0: {  	[sflag:s0] =	ssyncadd.remote.s32 $0x1  }
0xc1: {  	_ =	sfence.sel $0xFFFF  }
0xc2: {  	[dreg:$0x0] =	wrdreg $0xFFFFFFFF;
	(pc) =	sbr.abs _section_cstart, $3  }
0xc3: {  	[dreg:$0x1] =	wrdreg $0xFFFFFFFF  }
0xc4: {  	_ =	task.clear_ibuf [dreg:s8], $0x2FFFF;
	_ =	strace $0x9FFFFFFF  }
0xc5: {  	(tm) =	ssettm $0x7FFFFFFF  }
tec
execute0_lowered:
.L_overlay_start_1:
0x0: {  	(tag) =	ssettag $0x1  }
0x1: {  	s1 =	rddreg [dreg:$0x0]  }
0x2: {  	s0 =	rddreg [dreg:$0x1]  }
0x3: {  	s3 =	rddreg [dreg:$0x2]  }
0x4: {  	s2 =	rddreg [dreg:$0x3];
	s4 =	simm.s32 $0x0  }
0x5: {  	s14 =	srdreg.scid;
	s6 =	stileid.u32;
	s24 =	simm.s32 $0x9B80  }
0x6: {  	s25 =	simm.s32 $0xA780;
	s26 =	simm.s32 $0xAF80;
	s28 =	simm.s32 $0x1  }
0x7: {  	s29 =	simm.s32 $0x2;
	s30 =	simm.s32 $0x3;
	s31 =	simm.s32 $0x4  }
0x8: {  	[smem:$0x7FF] =	sst s4;
	s5 =	sand.u32 $0x1, s14;
	s4 =	sadd.s32 $0x9E00, s3  }
0x9: {  	s9 =	smul.u32 $0x4E000, s6;
	s11 =	sadd.s32 $0xC600, s3;
	s16 =	sshll.u32 s6, $0x7  }
0xa: {  	s14 =	sshll.u32 s6, $0x6;
	s13 =	smul.u32 $0x13800, s6;
	s21 =	sadd.s32 $0x138000, s2  }
0xb: {  	p0 =	sne.s32 s6, $0x0;
	_ =	strace $0x80000047;
	[dreg:$0x8] =	wrdreg s14  }
0xc: {  	s7 =	sshll.u32 s5, $0x4;
	s8 =	ssub.s32 $0x2, s5;
	[dreg:$0xc] =	wrdreg s21  }
0xd: {  	s5 =	smul.u32 $0x138800, s5;
	s14 =	sor.u32 $0x1C01, s14;
	[dreg:$0x5] =	wrdreg s24  }
0xe: {  	s21 =	simm.s32 $0x7380;
	[dreg:$0x6] =	wrdreg s25;
	s24 =	simm.s32 $0x7F80  }
0xf: {  	[dreg:$0x7] =	wrdreg s26;
	s26 =	simm.s32 $0x8780;
	s25 =	simm.s32 $0x8  }
0x10: {  	s7 =	sor.u32 s6, s7;
	s10 =	sshrl.u32 s8, $0x1;
	s9 =	sshrl.u32 s9, $0x2  }
0x11: {  	[dreg:$0x9] =	wrdreg s14;
	s14 =	simm.s32 $0xA;
	s6 =	simm.s32 $0x0  }
0x12: {  	s12 =	sshrl.u32 s7, $0x3;
	s8 =	ssub.s32 s8, s10;
	s9 =	sadd.s32 s9, s2  }
0x13: {  	s7 =	sshll.u32 s7, $0xB;
	s18 =	sadd.s32 s13, s5;
	s20 =	sshrl.u32 s5, $0x3  }
0x14: {  	s15 =	smul.u32 $0x13C00, s12;
	s12 =	sand.u32 $0x380, s16;
	s0 =	sadd.s32 s0, s7  }
0x15: {  	s19 =	sshrl.u32 s18, $0x3;
	s22 =	sadd.s32 s11, s20;
	s23 =	smax.u32 s8, $0x1  }
0x16: {  	s13 =	sshrl.u32 s9, $0x3;
	s18 =	simm.s32 $0x18;
	s16 =	simm.s32 $0x50  }
0x17: {  	s20 =	simm.s32 $0x6;
	[dreg:$0xa] =	wrdreg s0;
	s10 =	sor.u32 s12, s15  }
0x18: {  	[dreg:$0xf] =	wrdreg s23;
	s23 =	simm.s32 $0x7;
	s17 =	sshrl.u32 s10, $0x3  }
0x19: {  	s15 =	simm.s32 $0x8F80;
	s0 =	sadd.s32 s3, s17;
	s17 =	simm.s32 $0x4000  }
0x1a: {  	s3 =	simm.s32 $0x9;
	[dreg:$0xb] =	wrdreg s0;
	s0 =	sadd.s32 s11, s19  }
0x1b: {  	s19 =	simm.s32 $0x6780;
	[dreg:$0xd] =	wrdreg s0;
	s0 =	sadd.s32 $0x27000, s22  }
0x1c: {  	s22 =	simm.s32 $0x10;
	[dreg:$0xe] =	wrdreg s0;
	s0 =	simm.s32 $0x5  }
.LBB2_1:
0x1d: {  	s5 =	rddreg [dreg:$0x9]  }
0x1e: {  	[spmem:s13], [sflag:s5] =	dma.local [hbm:s4], $0x2700  }
0x1f: {  	s10 =	simm.s32 $0x0;
	s5 =	rddreg [dreg:$0xa]  }
0x20: {  	[tilespmem:s10], [sflag:$0xA] =	stream.linear.gather [hbm4b:s5+s10], $0x3E80, $0x38;
	[tilespmem:$0x1F000] =	vst v63  }
0x21: {  	_ =	swait.ge [sflag:s14], $0x3E80  }
0x22: {  	s7 =	simm.s32 $0x80;
	[sflag:s14] =	ssyncset.done $0x0  }
0x23: {  	s8 =	simm.s32 $0x400;
	s11 =	rddreg [dreg:$0xb];
	[sflag:s14] =	ssyncadd.s32 $0xFFFFC180  }
0x24: {  	[tilespmem:s17], [sflag:$0xA] =	stream.strided.gather [hbm4b:s11+s7], $0x2780, s8, s7, $0x38;
	[tilespmem:$0x1F000] =	vst v63  }
0x25: {  	_ =	swait.ge [sflag:s14], $0x2780  }
0x26: {  	[sflag:s14] =	ssyncset.done $0x0  }
0x27: {  	[sflag:s14] =	ssyncadd.s32 $0xFFFFD880  }
0x28: {  	[tilespmem:s19], [sflag:$0x2] =	stream.indirect.gather [hbm4b:s1+s18], $0x80, s17, s18, $0xb8;
	[tilespmem:$0x1F000] =	vst v63  }
0x29: {  	s12 =	simm.s32 $0x4018  }
0x2a: {  	[tilespmem:s21], [sflag:$0x3] =	stream.indirect.gather [hbm4b:s1+s18], $0x80, s12, s18, $0xb8;
	[tilespmem:$0x1F000] =	vst v63  }
0x2b: {  	s7 =	simm.s32 $0x4030  }
0x2c: {  	[tilespmem:s24], [sflag:$0x4] =	stream.indirect.gather [hbm4b:s1+s22], $0x80, s7, s22, $0xb8;
	[tilespmem:$0x1F000] =	vst v63  }
0x2d: {  	s8 =	simm.s32 $0x4040  }
0x2e: {  	[tilespmem:s26], [sflag:$0x5] =	stream.indirect.gather [hbm4b:s1+s22], $0x80, s8, s22, $0xb8;
	[tilespmem:$0x1F000] =	vst v63  }
0x2f: {  	_ =	swait.ge [sflag:s28], $0x2700  }
0x30: {  	[sflag:s28] =	ssyncset.done $0x0;
	s5 =	rddreg [dreg:$0xc]  }
0x31: {  	[sflag:s28] =	ssyncadd.s32 $0xFFFFD900;
	s7 =	sshrl.u32 @!p0 s5, $0x3;
	s5 =	simm.s32 @!p0 $0x1C0A  }
0x32: {  	[spmem:s7], [sflag:s5] =	dma.local @!p0 [hbm:s4], $0x100  }
0x33: {  	s5 =	simm.s32 @!p0 $0xA  }
0x34: {  	_ =	swait.ge @!p0 [sflag:s5], $0x100  }
0x35: {  	[sflag:s5] =	ssyncset.done @!p0 $0x0  }
0x36: {  	[sflag:s5] =	ssyncadd.s32 @!p0 $0xFFFFFF00  }
0x37: {  	[bflag:$0x0] =	sbarrier.arrive $0xFFFF  }
0x38: {  	_ =	swait.ge [sflag:s29], $0xC00  }
0x39: {  	[sflag:s29] =	ssyncset.done $0x0  }
0x3a: {  	[sflag:s29] =	ssyncadd.s32 $0xFFFFF400  }
0x3b: {  	_ =	swait.ge [sflag:s30], $0xC00  }
0x3c: {  	[sflag:s30] =	ssyncset.done $0x0  }
0x3d: {  	[sflag:s30] =	ssyncadd.s32 $0xFFFFF400  }
0x3e: {  	_ =	swait.ge [sflag:s31], $0x800  }
0x3f: {  	[sflag:s31] =	ssyncset.done $0x0  }
0x40: {  	[sflag:s31] =	ssyncadd.s32 $0xFFFFF800  }
0x41: {  	_ =	swait.ge [sflag:s0], $0x800  }
0x42: {  	[sflag:s0] =	ssyncset.done $0x0  }
0x43: {  	s9 =	simm.s32 $0x4050;
	[sflag:s0] =	ssyncadd.s32 $0xFFFFF800  }
0x44: {  	[tilespmem:s15], [sflag:$0x6] =	stream.indirect.gather [hbm4b:s1+s18], $0x80, s9, s18, $0xb8;
	[tilespmem:$0x1F000] =	vst v63  }
0x45: {  	s12 =	simm.s32 $0x4068;
	s11 =	rddreg [dreg:$0x5]  }
0x46: {  	[tilespmem:s11], [sflag:$0x7] =	stream.indirect.gather [hbm4b:s1+s18], $0x80, s12, s18, $0xb8;
	[tilespmem:$0x1F000] =	vst v63  }
0x47: {  	s8 =	simm.s32 $0x4080;
	s9 =	rddreg [dreg:$0x6]  }
0x48: {  	[tilespmem:s9], [sflag:$0x8] =	stream.indirect.gather [hbm4b:s1+s22], $0x80, s8, s22, $0xb8;
	[tilespmem:$0x1F000] =	vst v63  }
0x49: {  	s11 =	rddreg [dreg:$0x7];
	s12 =	simm.s32 $0x4090  }
0x4a: {  	[tilespmem:s11], [sflag:$0x9] =	stream.indirect.gather [hbm4b:s1+s22], $0x80, s12, s22, $0xb8;
	[tilespmem:$0x1F000] =	vst v63  }
0x4b: {  	_ = 	snop  }
0x4c: {  	[spmem:s2] =	stream.indirect.scatter.add.f32 [tilespmem:s19], [sflag:$0xA], $0x80, s10, s16, $0xb8;
	[tilespmem:$0x1F000] =	vst v63  }
0x4d: {  	_ =	swait.ge [sflag:s14], $0x2800  }
0x4e: {  	[sflag:s14] =	ssyncset.done $0x0  }
0x4f: {  	[sflag:s14] =	ssyncadd.s32 $0xFFFFD800  }
0x50: {  	_ =	swait.ge [sflag:s20], $0xC00  }
0x51: {  	[sflag:s20] =	ssyncset.done $0x0  }
0x52: {  	[sflag:s20] =	ssyncadd.s32 $0xFFFFF400  }
0x53: {  	_ =	swait.ge [sflag:s23], $0xC00  }
0x54: {  	[sflag:s23] =	ssyncset.done $0x0  }
0x55: {  	[sflag:s23] =	ssyncadd.s32 $0xFFFFF400  }
0x56: {  	_ =	swait.ge [sflag:s25], $0x800  }
0x57: {  	[sflag:s25] =	ssyncset.done $0x0  }
0x58: {  	[sflag:s25] =	ssyncadd.s32 $0xFFFFF800  }
0x59: {  	_ =	swait.ge [sflag:s3], $0x800  }
0x5a: {  	[sflag:s3] =	ssyncset.done $0x0  }
0x5b: {  	s8 =	simm.s32 $0x40A0;
	[sflag:s3] =	ssyncadd.s32 $0xFFFFF800  }
0x5c: {  	[tilespmem:s19], [sflag:$0x2] =	stream.indirect.gather [hbm4b:s1+s18], $0x80, s8, s18, $0xb8;
	[tilespmem:$0x1F000] =	vst v63  }
0x5d: {  	s9 =	simm.s32 $0x40B8  }
0x5e: {  	[tilespmem:s21], [sflag:$0x3] =	stream.indirect.gather [hbm4b:s1+s18], $0x80, s9, s18, $0xb8;
	[tilespmem:$0x1F000] =	vst v63  }
0x5f: {  	s10 =	simm.s32 $0x40D0  }
0x60: {  	[tilespmem:s24], [sflag:$0x4] =	stream.indirect.gather [hbm4b:s1+s22], $0x80, s10, s22, $0xb8;
	[tilespmem:$0x1F000] =	vst v63  }
0x61: {  	s11 =	simm.s32 $0x40E0  }
0x62: {  	[tilespmem:s26], [sflag:$0x5] =	stream.indirect.gather [hbm4b:s1+s22], $0x80, s11, s22, $0xb8;
	[tilespmem:$0x1F000] =	vst v63  }
0x63: {  	s12 =	simm.s32 $0x80  }
0x64: {  	[spmem:s2] =	stream.indirect.scatter.add.f32 [tilespmem:s15], [sflag:$0xA], $0x80, s12, s16, $0xb8;
	[tilespmem:$0x1F000] =	vst v63  }
0x65: {  	_ =	swait.ge [sflag:s14], $0x2800  }
0x66: {  	s5 =	simm.s32 $0x280;
	s8 =	simm.s32 $0x0;
	[sflag:s14] =	ssyncset.done $0x0  }
.LBB2_2:
0x67: {  	[sflag:s14] =	ssyncadd.s32 $0xFFFFD800  }
0x68: {  	_ =	swait.ge [sflag:s29], $0xC00  }
0x69: {  	[sflag:s29] =	ssyncset.done $0x0  }
0x6a: {  	[sflag:s29] =	ssyncadd.s32 $0xFFFFF400  }
0x6b: {  	_ =	swait.ge [sflag:s30], $0xC00  }
0x6c: {  	[sflag:s30] =	ssyncset.done $0x0  }
0x6d: {  	[sflag:s30] =	ssyncadd.s32 $0xFFFFF400  }
0x6e: {  	_ =	swait.ge [sflag:s31], $0x800  }
0x6f: {  	[sflag:s31] =	ssyncset.done $0x0  }
0x70: {  	[sflag:s31] =	ssyncadd.s32 $0xFFFFF800  }
0x71: {  	s9 =	smov.u32 s5;
	_ =	swait.ge [sflag:s0], $0x800  }
0x72: {  	s9 =	sshra.s32 s9, $0x2;
	[sflag:s0] =	ssyncset.done $0x0  }
0x73: {  	s10 =	sadd.s32 $0x4050, s9;
	[sflag:s0] =	ssyncadd.s32 $0xFFFFF800  }
0x74: {  	[tilespmem:s15], [sflag:$0x6] =	stream.indirect.gather [hbm4b:s1+s18], $0x80, s10, s18, $0xb8;
	[tilespmem:$0x1F000] =	vst v63  }
0x75: {  	s11 =	rddreg [dreg:$0x5];
	s10 =	sadd.s32 $0x4068, s9  }
0x76: {  	[tilespmem:s11], [sflag:$0x7] =	stream.indirect.gather [hbm4b:s1+s18], $0x80, s10, s18, $0xb8;
	[tilespmem:$0x1F000] =	vst v63  }
0x77: {  	s12 =	rddreg [dreg:$0x6];
	s10 =	sadd.s32 $0x4080, s9  }
0x78: {  	[tilespmem:s12], [sflag:$0x8] =	stream.indirect.gather [hbm4b:s1+s22], $0x80, s10, s22, $0xb8;
	[tilespmem:$0x1F000] =	vst v63  }
0x79: {  	s11 =	rddreg [dreg:$0x7];
	s12 =	sadd.s32 $0x4090, s9  }
0x7a: {  	[tilespmem:s11], [sflag:$0x9] =	stream.indirect.gather [hbm4b:s1+s22], $0x80, s12, s22, $0xb8;
	[tilespmem:$0x1F000] =	vst v63  }
0x7b: {  	s8 =	sadd.s32 $0x100, s8  }
0x7c: {  	[spmem:s2] =	stream.indirect.scatter.add.f32 [tilespmem:s19], [sflag:$0xA], $0x80, s8, s16, $0xb8;
	[tilespmem:$0x1F000] =	vst v63  }
0x7d: {  	_ =	swait.ge [sflag:s14], $0x2800  }
0x7e: {  	[sflag:s14] =	ssyncset.done $0x0  }
0x7f: {  	[sflag:s14] =	ssyncadd.s32 $0xFFFFD800  }
0x80: {  	_ =	swait.ge [sflag:s20], $0xC00  }
0x81: {  	[sflag:s20] =	ssyncset.done $0x0  }
0x82: {  	[sflag:s20] =	ssyncadd.s32 $0xFFFFF400  }
0x83: {  	_ =	swait.ge [sflag:s23], $0xC00  }
0x84: {  	[sflag:s23] =	ssyncset.done $0x0  }
0x85: {  	[sflag:s23] =	ssyncadd.s32 $0xFFFFF400  }
0x86: {  	_ =	swait.ge [sflag:s25], $0x800  }
0x87: {  	[sflag:s25] =	ssyncset.done $0x0  }
0x88: {  	[sflag:s25] =	ssyncadd.s32 $0xFFFFF800  }
0x89: {  	_ =	swait.ge [sflag:s3], $0x800  }
0x8a: {  	[sflag:s3] =	ssyncset.done $0x0  }
0x8b: {  	s11 =	sadd.s32 $0x40A0, s9;
	[sflag:s3] =	ssyncadd.s32 $0xFFFFF800  }
0x8c: {  	[tilespmem:s19], [sflag:$0x2] =	stream.indirect.gather [hbm4b:s1+s18], $0x80, s11, s18, $0xb8;
	[tilespmem:$0x1F000] =	vst v63  }
0x8d: {  	s12 =	sadd.s32 $0x40B8, s9  }
0x8e: {  	[tilespmem:s21], [sflag:$0x3] =	stream.indirect.gather [hbm4b:s1+s18], $0x80, s12, s18, $0xb8;
	[tilespmem:$0x1F000] =	vst v63  }
0x8f: {  	s11 =	sadd.s32 $0x40D0, s9  }
0x90: {  	[tilespmem:s24], [sflag:$0x4] =	stream.indirect.gather [hbm4b:s1+s22], $0x80, s11, s22, $0xb8;
	[tilespmem:$0x1F000] =	vst v63  }
0x91: {  	p1 =	sne.s32 s5, $0x9880;
	s9 =	sadd.s32 $0x40E0, s9  }
0x92: {  	[tilespmem:s26], [sflag:$0x5] =	stream.indirect.gather [hbm4b:s1+s22], $0x80, s9, s22, $0xb8;
	[tilespmem:$0x1F000] =	vst v63  }
.Ltmp0:
0x93: {  	_ = 	snop;
	(pc) =	sbr.rel @p1 .LBB2_2-.Ltmp0, $4  }
0x94: {  	s12 =	sadd.s32 $0x80, s8  }
0x95: {  	[spmem:s2] =	stream.indirect.scatter.add.f32 [tilespmem:s15], [sflag:$0xA], $0x80, s12, s16, $0xb8;
	[tilespmem:$0x1F000] =	vst v63  }
0x96: {  	_ =	swait.ge [sflag:s14], $0x2800  }
0x97: {  	s5 =	sadd.s32 $0x280, s5;
	[sflag:s14] =	ssyncset.done $0x0  }
0x98: {  	[sflag:s14] =	ssyncadd.s32 $0xFFFFD800  }
0x99: {  	_ =	swait.ge [sflag:s29], $0xC00  }
0x9a: {  	[sflag:s29] =	ssyncset.done $0x0  }
0x9b: {  	[sflag:s29] =	ssyncadd.s32 $0xFFFFF400  }
0x9c: {  	_ =	swait.ge [sflag:s30], $0xC00  }
0x9d: {  	[sflag:s30] =	ssyncset.done $0x0  }
0x9e: {  	[sflag:s30] =	ssyncadd.s32 $0xFFFFF400  }
0x9f: {  	_ =	swait.ge [sflag:s31], $0x800  }
0xa0: {  	[sflag:s31] =	ssyncset.done $0x0  }
0xa1: {  	[sflag:s31] =	ssyncadd.s32 $0xFFFFF800  }
0xa2: {  	_ =	swait.ge [sflag:s0], $0x800  }
0xa3: {  	[sflag:s0] =	ssyncset.done $0x0  }
0xa4: {  	s5 =	simm.s32 $0x3E00;
	[sflag:s0] =	ssyncadd.s32 $0xFFFFF800  }
0xa5: {  	[spmem:s2] =	stream.indirect.scatter.add.f32 [tilespmem:s19], [sflag:$0xA], $0x80, s5, s16, $0xb8;
	[tilespmem:$0x1F000] =	vst v63  }
0xa6: {  	_ =	swait.ge [sflag:s14], $0x2800  }
0xa7: {  	[sflag:s14] =	ssyncset.done $0x0  }
0xa8: {  	[sflag:s14] =	ssyncadd.s32 $0xFFFFD800  }
0xa9: {  	[bflag:$0x0] =	sbarrier.arrive $0xFFFF  }
0xaa: {  	s11 =	rddreg [dreg:$0x8]  }
0xab: {  	s8 =	rddreg [dreg:$0xd];
	s5 =	sor.u32 $0x1C0A, s11  }
0xac: {  	[hbm:s8], [sflag:s5] =	dma.local [spmem:s13], $0x2700  }
0xad: {  	_ =	swait.ge [sflag:s14], $0x2700  }
0xae: {  	[sflag:s14] =	ssyncset.done $0x0  }
0xaf: {  	s8 =	rddreg [dreg:$0xe];
	[sflag:s14] =	ssyncadd.s32 $0xFFFFD900  }
0xb0: {  	[hbm:s8], [sflag:s5] =	dma.local @!p0 [spmem:s7], $0x100  }
0xb1: {  	s5 =	simm.s32 @!p0 $0xA  }
0xb2: {  	_ =	swait.ge @!p0 [sflag:s5], $0x100  }
0xb3: {  	s6 =	sadd.s32 $0x1, s6;
	s12 =	rddreg [dreg:$0xf]  }
0xb4: {  	p1 =	sne.s32 s6, s12  }
.Ltmp1:
0xb5: {  	_ = 	snop;
	(pc) =	sbr.rel @p1 .LBB2_1-.Ltmp1, $3  }
0xb6: {  	_ =	sdelay $0x1  }
0xb7: {  	[sflag:s5] =	ssyncset.done @!p0 $0x0  }
0xb8: {  	[sflag:s5] =	ssyncadd.s32 @!p0 $0xFFFFFF00  }
0xb9: {  	_ =	sfence.sel $0x180000  }
0xba: {  	[bflag:$0x0] =	sbarrier.arrive $0xFFFF  }
0xbb: {  	_ =	strace $0x90000047  }
0xbc: {  	[bflag:$0x2] =	sbarrier.arrive $0xFFFF  }
0xbd: {  	s0 =	rddreg [dreg:$0x4]  }
0xbe: {  	s0 =	sadd.s32 @!p0 $0x100000, s0  }
0xbf: {  	[sflag:s0] =	ssyncadd.tile.s32 @!p0 $0x1;
	_ =	shalt  }
.Lfunc_end2:
_tile_overlayer_lowered:
.L_overlay_start_2:
0xc0: {  	(tag) =	ssettag $0x2  }
0xc1: {  	s0 =	rddreg [dreg:$0x0];
	s2 =	stileid.u32  }
0xc2: {  	s1 =	rddreg [dreg:$0x1];
	p0 =	sne.s32 s2, $0x0  }
0xc3: {  	s3 =	rddreg [dreg:$0x2];
	[bflag:$0x3] =	sbarrier.arrive $0xFFFF;
	s2 =	simm.s32 @!p0 $0x1C0A  }
0xc4: {  	[timem:s3], [sflag:s2] =	dma.local @!p0 [hbm:s0], s1  }
0xc5: {  	s0 =	simm.s32 @!p0 $0xA  }
0xc6: {  	_ =	swait.ge @!p0 [sflag:s0], s1  }
0xc7: {  	s1 =	ssub.s32 @!p0 $0x0, s1;
	[sflag:s0] =	ssyncset.done @!p0 $0x0  }
0xc8: {  	[sflag:s0] =	ssyncadd.s32 @!p0 s1  }
0xc9: {  	[bflag:$0x3] =	sbarrier.arrive $0xFFFF  }
0xca: {  	_ =	shalt  }

</sc_bundles>
